<compile_context>
chip_gen: v7x
topology: tpu7x:2x2x1
jax: 0.10.2.dev20260603
libtpu: 0.0.44.dev20260713+nightly
codegen_flags: <defaults>
</compile_context>

<pallas_src>
import functools

import jax
import jax.numpy as jnp
from jax import lax
from jax.experimental import pallas as pl
from jax.experimental.pallas import tpu as pltpu
from jax.experimental.pallas import tpu_sc as plsc

_NUM_WORKERS = 32
_PS_ROWS = 80
_CHUNK = 64


def _make_sc_kernel(b, n_pre, n_cls, n_suf, d):
    rows = n_pre + n_cls + n_suf
    b_per_w = b // _NUM_WORKERS
    n_rounds = (b_per_w * n_cls) // _CHUNK

    mesh = plsc.VectorSubcoreMesh(core_axis_name="c", subcore_axis_name="s")

    @functools.partial(
        pl.kernel,
        mesh=mesh,
        out_type=jax.ShapeDtypeStruct((b * rows + 8, d), jnp.float32),
        scratch_types=[
            pltpu.VMEM((_PS_ROWS, d), jnp.float32),
            pltpu.VMEM((_CHUNK, d), jnp.float32),
            pltpu.VMEM((n_rounds, _CHUNK), jnp.int32),
            pltpu.VMEM((n_rounds, _CHUNK), jnp.int32),
            pltpu.VMEM((b_per_w, _PS_ROWS), jnp.int32),
            pltpu.SemaphoreType.DMA,
            pltpu.SemaphoreType.DMA,
        ],
    )
    def sck(cls_h, ps_h, cidx_h, oidx_h, psidx_h, out_h,
            ps_v, g_v, cidx_v, oidx_v, psidx_v, sem_g, sem_l):
        wid = lax.axis_index("s") * 2 + lax.axis_index("c")
        pltpu.sync_copy(ps_h, ps_v)
        pltpu.sync_copy(cidx_h.at[wid], cidx_v)
        pltpu.sync_copy(oidx_h.at[wid], oidx_v)
        pltpu.sync_copy(psidx_h.at[wid], psidx_v)

        def group_body(k, carry):
            pltpu.async_copy(cls_h.at[cidx_v.at[k]], g_v, sem_g).wait()
            pltpu.async_copy(g_v, out_h.at[oidx_v.at[k]], sem_g).wait()
            return carry

        lax.fori_loop(0, n_rounds, group_body, 0)

        def lin_body(t, carry):
            descs = []
            for j in range(8):
                descs.append(
                    pltpu.async_copy(
                        ps_v, out_h.at[psidx_v.at[t * 8 + j]], sem_l))
            for dd in descs:
                dd.wait()
            return carry

        lax.fori_loop(0, b_per_w // 8, lin_body, 0)

    return sck


def kernel(label, cls_ctx, token_prefix, token_suffix):
    b = label.shape[0]
    num_class, n_cls, d = cls_ctx.shape
    n_pre = token_prefix.shape[1]
    n_suf = token_suffix.shape[1]
    rows = n_pre + n_cls + n_suf
    n_ps = n_pre + n_suf
    dump = b * rows

    lab = label.astype(jnp.int32)
    cls_tab = cls_ctx.reshape(num_class * n_cls, d)
    ps = jnp.concatenate(
        [token_prefix[0], token_suffix[0],
         jnp.zeros((_PS_ROWS - n_ps, d), jnp.float32)], axis=0)

    cidx = (lab[:, None] * n_cls + jnp.arange(n_cls, dtype=jnp.int32)
            ).reshape(_NUM_WORKERS, -1, _CHUNK)
    orow = ((jnp.arange(b, dtype=jnp.int32) * rows + n_pre)[:, None]
            + jnp.arange(n_cls, dtype=jnp.int32)
            ).reshape(_NUM_WORKERS, -1, _CHUNK)

    i = jnp.arange(_PS_ROWS, dtype=jnp.int32)
    off = jnp.where(i < n_pre, i, i + n_cls)
    psidx = jnp.where(
        i[None, :] < n_ps,
        jnp.arange(b, dtype=jnp.int32)[:, None] * rows + off[None, :],
        dump + jnp.maximum(i[None, :] - n_ps, 0),
    ).reshape(_NUM_WORKERS, -1, _PS_ROWS)

    sck = _make_sc_kernel(b, n_pre, n_cls, n_suf, d)
    out = sck(cls_tab, ps, cidx, orow, psidx)
    return out[:b * rows].reshape(b, rows, d)

# --- scband reference (transcript-rebuilt; emitter-appended) ---
"""Pipeline reference for scband-prompt-learner-share-1202590843090 (READ-ONLY COPY).

The authoritative reference and input builder live on the scoring server;
editing this copy changes nothing except your own understanding.
"""

import jax, jax.numpy as jnp
import numpy as np

NUM_CLASS = 100000
CTX_DIM = 512
N_CLS_CTX = 4
N_CTX = 4
CLIP_LEN = 77
BATCH = 4096

def setup_inputs(seed: int = 0) -> dict:
    key = jax.random.key(seed)
    k1, k2, k3, k4 = jax.random.split(key, 4)
    # learned class-context vectors (nn.Parameter, init std=0.02)
    cls_ctx = jax.random.normal(k1, (NUM_CLASS, N_CLS_CTX, CTX_DIM), dtype=jnp.float32) * 0.02
    # frozen token-embedding slices registered as buffers ('common' mode: n_ctx=4)
    # prefix = embedding[:, :n_ctx+1, :] -> [1, 5, 512]
    # suffix = embedding[:, n_ctx+1+n_cls_ctx:, :] -> [1, 77-9=68, 512]
    token_prefix = jax.random.normal(k2, (1, N_CTX + 1, CTX_DIM), dtype=jnp.float32)
    token_suffix = jax.random.normal(k3, (1, CLIP_LEN - (N_CTX + 1 + N_CLS_CTX), CTX_DIM), dtype=jnp.float32)
    label = jax.random.randint(k4, (BATCH,), 0, NUM_CLASS, dtype=jnp.int64 if jax.config.jax_enable_x64 else jnp.int32)
    return {"label": label, "cls_ctx": cls_ctx, "token_prefix": token_prefix, "token_suffix": token_suffix}

def reference(label, cls_ctx, token_prefix, token_suffix):
    # mode == 'common' branch of PromptLearner_share.forward
    cls = jnp.take(cls_ctx, label, axis=0)           # gather: [B, 4, 512]
    b = label.shape[0]
    prefix = jnp.broadcast_to(token_prefix, (b, token_prefix.shape[1], token_prefix.shape[2]))
    suffix = jnp.broadcast_to(token_suffix, (b, token_suffix.shape[1], token_suffix.shape[2]))
    prompts = jnp.concatenate([prefix, cls, suffix], axis=1)  # [B, 77, 512]
    return prompts

if __name__ == "__main__":
    import jax
    _d = setup_inputs()
    print(jax.jit(kernel)(*tuple(_d.values())))

</pallas_src>

<mosaic_0001>
#map = affine_map<(d0, d1) -> (0, 0)>
#map1 = affine_map<(d0, d1) -> (0, 0, 0)>
module attributes {stable_mosaic.version = 14 : i64} {
  func.func @sck(%arg0: i32, %arg1: i32, %arg2: memref<400000x512xf32, #tpu.memory_space<hbm>>, %arg3: memref<80x512xf32, #tpu.memory_space<hbm>>, %arg4: memref<32x8x64xi32, #tpu.memory_space<hbm>>, %arg5: memref<32x8x64xi32, #tpu.memory_space<hbm>>, %arg6: memref<32x128x80xi32, #tpu.memory_space<hbm>>, %arg7: memref<315400x512xf32, #tpu.memory_space<hbm>>, %arg8: memref<80x512xf32, #tpu.memory_space<vmem>>, %arg9: memref<64x512xf32, #tpu.memory_space<vmem>>, %arg10: memref<8x64xi32, #tpu.memory_space<vmem>>, %arg11: memref<8x64xi32, #tpu.memory_space<vmem>>, %arg12: memref<128x80xi32, #tpu.memory_space<vmem>>, %arg13: memref<!tpu.dma_semaphore, #tpu.memory_space<semaphore_mem>>, %arg14: memref<!tpu.dma_semaphore, #tpu.memory_space<semaphore_mem>>) attributes {dimension_semantics = [#tpu.dimension_semantics<core_parallel>, #tpu.dimension_semantics<subcore_parallel>], iteration_bounds = array<i64: 2, 16>, scalar_prefetch = 0 : i64, scratch_operands = 7 : i64, tpu.core_type = #tpu.core_type<sc_vector_subcore>, window_params = [{transform_indices = #map}, {transform_indices = #map}, {transform_indices = #map1}, {transform_indices = #map1}, {transform_indices = #map1}, {transform_indices = #map}]} {
    %mul3A = arith.constant 2 : i32
    %mul3A_0 = arith.muli %arg1, %mul3A : i32
    %add3A = arith.addi %mul3A_0, %arg0 : i32
    "tpu.region"() ({
      %run_scoped3A = tpu.sem_alloc : memref<!tpu.dma_semaphore, #tpu.memory_space<semaphore_mem>>
      tpu.enqueue_dma source(%arg3 : memref<80x512xf32, #tpu.memory_space<hbm>>) target(%arg8 : memref<80x512xf32, #tpu.memory_space<vmem>>) target_semaphore(%run_scoped3A : memref<!tpu.dma_semaphore, #tpu.memory_space<semaphore_mem>>)
      tpu.wait_dma2 semaphore(%run_scoped3A : memref<!tpu.dma_semaphore, #tpu.memory_space<semaphore_mem>>) src(%arg3 : memref<80x512xf32, #tpu.memory_space<hbm>>) dst(%arg8 : memref<80x512xf32, #tpu.memory_space<vmem>>)
      tpu.yield
    }) : () -> ()
    "tpu.region"() ({
      %run_scoped3A = tpu.sem_alloc : memref<!tpu.dma_semaphore, #tpu.memory_space<semaphore_mem>>
      %dma_start3A = arith.constant 0 : i32
      %dma_start3A_12 = arith.constant 0 : i32
      %dma_start3A_13 = tpu.memref_slice %arg4[%add3A, %dma_start3A, %dma_start3A_12] : memref<32x8x64xi32, #tpu.memory_space<hbm>> -> memref<1x8x64xi32, #tpu.memory_space<hbm>>
      %dma_start3A_14 = tpu.memref_squeeze %dma_start3A_13 : memref<1x8x64xi32, #tpu.memory_space<hbm>> -> memref<8x64xi32, #tpu.memory_space<hbm>>
      %dma_start3A_15 = arith.constant 0 : i32
      %dma_start3A_16 = arith.constant 0 : i32
      %dma_start3A_17 = tpu.memref_slice %arg4[%add3A, %dma_start3A_15, %dma_start3A_16] : memref<32x8x64xi32, #tpu.memory_space<hbm>> -> memref<1x8x64xi32, #tpu.memory_space<hbm>>
      %dma_start3A_18 = tpu.memref_squeeze %dma_start3A_17 : memref<1x8x64xi32, #tpu.memory_space<hbm>> -> memref<8x64xi32, #tpu.memory_space<hbm>>
      tpu.enqueue_dma source(%dma_start3A_18 : memref<8x64xi32, #tpu.memory_space<hbm>>) target(%arg10 : memref<8x64xi32, #tpu.memory_space<vmem>>) target_semaphore(%run_scoped3A : memref<!tpu.dma_semaphore, #tpu.memory_space<semaphore_mem>>)
      %dma_wait3A = arith.constant 0 : i32
      %dma_wait3A_19 = arith.constant 0 : i32
      %dma_wait3A_20 = tpu.memref_slice %arg4[%add3A, %dma_wait3A, %dma_wait3A_19] : memref<32x8x64xi32, #tpu.memory_space<hbm>> -> memref<1x8x64xi32, #tpu.memory_space<hbm>>
      %dma_wait3A_21 = tpu.memref_squeeze %dma_wait3A_20 : memref<1x8x64xi32, #tpu.memory_space<hbm>> -> memref<8x64xi32, #tpu.memory_space<hbm>>
      %dma_wait3A_22 = arith.constant 0 : i32
      %dma_wait3A_23 = arith.constant 0 : i32
      %dma_wait3A_24 = tpu.memref_slice %arg4[%add3A, %dma_wait3A_22, %dma_wait3A_23] : memref<32x8x64xi32, #tpu.memory_space<hbm>> -> memref<1x8x64xi32, #tpu.memory_space<hbm>>
      %dma_wait3A_25 = tpu.memref_squeeze %dma_wait3A_24 : memref<1x8x64xi32, #tpu.memory_space<hbm>> -> memref<8x64xi32, #tpu.memory_space<hbm>>
      tpu.wait_dma2 semaphore(%run_scoped3A : memref<!tpu.dma_semaphore, #tpu.memory_space<semaphore_mem>>) src(%dma_wait3A_25 : memref<8x64xi32, #tpu.memory_space<hbm>>) dst(%arg10 : memref<8x64xi32, #tpu.memory_space<vmem>>)
      tpu.yield
    }) : () -> ()
    "tpu.region"() ({
      %run_scoped3A = tpu.sem_alloc : memref<!tpu.dma_semaphore, #tpu.memory_space<semaphore_mem>>
      %dma_start3A = arith.constant 0 : i32
      %dma_start3A_12 = arith.constant 0 : i32
      %dma_start3A_13 = tpu.memref_slice %arg5[%add3A, %dma_start3A, %dma_start3A_12] : memref<32x8x64xi32, #tpu.memory_space<hbm>> -> memref<1x8x64xi32, #tpu.memory_space<hbm>>
      %dma_start3A_14 = tpu.memref_squeeze %dma_start3A_13 : memref<1x8x64xi32, #tpu.memory_space<hbm>> -> memref<8x64xi32, #tpu.memory_space<hbm>>
      %dma_start3A_15 = arith.constant 0 : i32
      %dma_start3A_16 = arith.constant 0 : i32
      %dma_start3A_17 = tpu.memref_slice %arg5[%add3A, %dma_start3A_15, %dma_start3A_16] : memref<32x8x64xi32, #tpu.memory_space<hbm>> -> memref<1x8x64xi32, #tpu.memory_space<hbm>>
      %dma_start3A_18 = tpu.memref_squeeze %dma_start3A_17 : memref<1x8x64xi32, #tpu.memory_space<hbm>> -> memref<8x64xi32, #tpu.memory_space<hbm>>
      tpu.enqueue_dma source(%dma_start3A_18 : memref<8x64xi32, #tpu.memory_space<hbm>>) target(%arg11 : memref<8x64xi32, #tpu.memory_space<vmem>>) target_semaphore(%run_scoped3A : memref<!tpu.dma_semaphore, #tpu.memory_space<semaphore_mem>>)
      %dma_wait3A = arith.constant 0 : i32
      %dma_wait3A_19 = arith.constant 0 : i32
      %dma_wait3A_20 = tpu.memref_slice %arg5[%add3A, %dma_wait3A, %dma_wait3A_19] : memref<32x8x64xi32, #tpu.memory_space<hbm>> -> memref<1x8x64xi32, #tpu.memory_space<hbm>>
      %dma_wait3A_21 = tpu.memref_squeeze %dma_wait3A_20 : memref<1x8x64xi32, #tpu.memory_space<hbm>> -> memref<8x64xi32, #tpu.memory_space<hbm>>
      %dma_wait3A_22 = arith.constant 0 : i32
      %dma_wait3A_23 = arith.constant 0 : i32
      %dma_wait3A_24 = tpu.memref_slice %arg5[%add3A, %dma_wait3A_22, %dma_wait3A_23] : memref<32x8x64xi32, #tpu.memory_space<hbm>> -> memref<1x8x64xi32, #tpu.memory_space<hbm>>
      %dma_wait3A_25 = tpu.memref_squeeze %dma_wait3A_24 : memref<1x8x64xi32, #tpu.memory_space<hbm>> -> memref<8x64xi32, #tpu.memory_space<hbm>>
      tpu.wait_dma2 semaphore(%run_scoped3A : memref<!tpu.dma_semaphore, #tpu.memory_space<semaphore_mem>>) src(%dma_wait3A_25 : memref<8x64xi32, #tpu.memory_space<hbm>>) dst(%arg11 : memref<8x64xi32, #tpu.memory_space<vmem>>)
      tpu.yield
    }) : () -> ()
    "tpu.region"() ({
      %run_scoped3A = tpu.sem_alloc : memref<!tpu.dma_semaphore, #tpu.memory_space<semaphore_mem>>
      %dma_start3A = arith.constant 0 : i32
      %dma_start3A_12 = arith.constant 0 : i32
      %dma_start3A_13 = tpu.memref_slice %arg6[%add3A, %dma_start3A, %dma_start3A_12] : memref<32x128x80xi32, #tpu.memory_space<hbm>> -> memref<1x128x80xi32, #tpu.memory_space<hbm>>
      %dma_start3A_14 = tpu.memref_squeeze %dma_start3A_13 : memref<1x128x80xi32, #tpu.memory_space<hbm>> -> memref<128x80xi32, #tpu.memory_space<hbm>>
      %dma_start3A_15 = arith.constant 0 : i32
      %dma_start3A_16 = arith.constant 0 : i32
      %dma_start3A_17 = tpu.memref_slice %arg6[%add3A, %dma_start3A_15, %dma_start3A_16] : memref<32x128x80xi32, #tpu.memory_space<hbm>> -> memref<1x128x80xi32, #tpu.memory_space<hbm>>
      %dma_start3A_18 = tpu.memref_squeeze %dma_start3A_17 : memref<1x128x80xi32, #tpu.memory_space<hbm>> -> memref<128x80xi32, #tpu.memory_space<hbm>>
      tpu.enqueue_dma source(%dma_start3A_18 : memref<128x80xi32, #tpu.memory_space<hbm>>) target(%arg12 : memref<128x80xi32, #tpu.memory_space<vmem>>) target_semaphore(%run_scoped3A : memref<!tpu.dma_semaphore, #tpu.memory_space<semaphore_mem>>)
      %dma_wait3A = arith.constant 0 : i32
      %dma_wait3A_19 = arith.constant 0 : i32
      %dma_wait3A_20 = tpu.memref_slice %arg6[%add3A, %dma_wait3A, %dma_wait3A_19] : memref<32x128x80xi32, #tpu.memory_space<hbm>> -> memref<1x128x80xi32, #tpu.memory_space<hbm>>
      %dma_wait3A_21 = tpu.memref_squeeze %dma_wait3A_20 : memref<1x128x80xi32, #tpu.memory_space<hbm>> -> memref<128x80xi32, #tpu.memory_space<hbm>>
      %dma_wait3A_22 = arith.constant 0 : i32
      %dma_wait3A_23 = arith.constant 0 : i32
      %dma_wait3A_24 = tpu.memref_slice %arg6[%add3A, %dma_wait3A_22, %dma_wait3A_23] : memref<32x128x80xi32, #tpu.memory_space<hbm>> -> memref<1x128x80xi32, #tpu.memory_space<hbm>>
      %dma_wait3A_25 = tpu.memref_squeeze %dma_wait3A_24 : memref<1x128x80xi32, #tpu.memory_space<hbm>> -> memref<128x80xi32, #tpu.memory_space<hbm>>
      tpu.wait_dma2 semaphore(%run_scoped3A : memref<!tpu.dma_semaphore, #tpu.memory_space<semaphore_mem>>) src(%dma_wait3A_25 : memref<128x80xi32, #tpu.memory_space<hbm>>) dst(%arg12 : memref<128x80xi32, #tpu.memory_space<vmem>>)
      tpu.yield
    }) : () -> ()
    %scan3A = arith.constant 0 : i32
    %scan3A_1 = arith.constant 0 : i32
    %scan3A_2 = arith.constant 8 : i32
    %scan3A_3 = arith.addi %scan3A_1, %scan3A_2 : i32
    %scan3A_4 = arith.constant 1 : i32
    scf.for %scan3A_12 = %scan3A_1 to %scan3A_3 step %scan3A_4  : i32 {
      %dma_start3A = arith.constant 0 : i32
      %dma_start3A_13 = tpu.memref_slice %arg10[%scan3A_12, %dma_start3A] : memref<8x64xi32, #tpu.memory_space<vmem>> -> memref<1x64xi32, #tpu.memory_space<vmem>>
      %dma_start3A_14 = tpu.memref_squeeze %dma_start3A_13 : memref<1x64xi32, #tpu.memory_space<vmem>> -> memref<64xi32, #tpu.memory_space<vmem>>
      %dma_start3A_15 = arith.constant 0 : i32
      %dma_start3A_16 = arith.constant 0 : i32
      %dma_start3A_17 = tpu.memref_slice %arg2[%dma_start3A_15, %dma_start3A_16] : memref<400000x512xf32, #tpu.memory_space<hbm>> -> memref<400000x512xf32, #tpu.memory_space<hbm>>
      tpu.enqueue_indirect_dma source(%dma_start3A_17 : memref<400000x512xf32, #tpu.memory_space<hbm>>) target(%arg9 : memref<64x512xf32, #tpu.memory_space<vmem>>) offsets(%dma_start3A_14 : memref<64xi32, #tpu.memory_space<vmem>>) semaphore(%arg13 : memref<!tpu.dma_semaphore, #tpu.memory_space<semaphore_mem>>)
      %dma_wait3A = arith.constant 0 : i32
      %dma_wait3A_18 = tpu.memref_slice %arg10[%scan3A_12, %dma_wait3A] : memref<8x64xi32, #tpu.memory_space<vmem>> -> memref<1x64xi32, #tpu.memory_space<vmem>>
      %dma_wait3A_19 = tpu.memref_squeeze %dma_wait3A_18 : memref<1x64xi32, #tpu.memory_space<vmem>> -> memref<64xi32, #tpu.memory_space<vmem>>
      %dma_wait3A_20 = arith.constant 0 : i32
      %dma_wait3A_21 = arith.constant 0 : i32
      %dma_wait3A_22 = tpu.memref_slice %arg2[%dma_wait3A_20, %dma_wait3A_21] : memref<400000x512xf32, #tpu.memory_space<hbm>> -> memref<400000x512xf32, #tpu.memory_space<hbm>>
      tpu.wait_indirect_dma semaphore(%arg13 : memref<!tpu.dma_semaphore, #tpu.memory_space<semaphore_mem>>) src(%dma_wait3A_22 : memref<400000x512xf32, #tpu.memory_space<hbm>>) dst(%arg9 : memref<64x512xf32, #tpu.memory_space<vmem>>)
      %dma_start3A_23 = arith.constant 0 : i32
      %dma_start3A_24 = tpu.memref_slice %arg11[%scan3A_12, %dma_start3A_23] : memref<8x64xi32, #tpu.memory_space<vmem>> -> memref<1x64xi32, #tpu.memory_space<vmem>>
      %dma_start3A_25 = tpu.memref_squeeze %dma_start3A_24 : memref<1x64xi32, #tpu.memory_space<vmem>> -> memref<64xi32, #tpu.memory_space<vmem>>
      %dma_start3A_26 = arith.constant 0 : i32
      %dma_start3A_27 = arith.constant 0 : i32
      %dma_start3A_28 = tpu.memref_slice %arg7[%dma_start3A_26, %dma_start3A_27] : memref<315400x512xf32, #tpu.memory_space<hbm>> -> memref<315400x512xf32, #tpu.memory_space<hbm>>
      tpu.enqueue_indirect_dma source(%arg9 : memref<64x512xf32, #tpu.memory_space<vmem>>) target(%dma_start3A_28 : memref<315400x512xf32, #tpu.memory_space<hbm>>) offsets(%dma_start3A_25 : memref<64xi32, #tpu.memory_space<vmem>>) semaphore(%arg13 : memref<!tpu.dma_semaphore, #tpu.memory_space<semaphore_mem>>)
      %dma_wait3A_29 = arith.constant 0 : i32
      %dma_wait3A_30 = tpu.memref_slice %arg11[%scan3A_12, %dma_wait3A_29] : memref<8x64xi32, #tpu.memory_space<vmem>> -> memref<1x64xi32, #tpu.memory_space<vmem>>
      %dma_wait3A_31 = tpu.memref_squeeze %dma_wait3A_30 : memref<1x64xi32, #tpu.memory_space<vmem>> -> memref<64xi32, #tpu.memory_space<vmem>>
      %dma_wait3A_32 = arith.constant 0 : i32
      %dma_wait3A_33 = arith.constant 0 : i32
      %dma_wait3A_34 = tpu.memref_slice %arg7[%dma_wait3A_32, %dma_wait3A_33] : memref<315400x512xf32, #tpu.memory_space<hbm>> -> memref<315400x512xf32, #tpu.memory_space<hbm>>
      tpu.wait_indirect_dma semaphore(%arg13 : memref<!tpu.dma_semaphore, #tpu.memory_space<semaphore_mem>>) src(%arg9 : memref<64x512xf32, #tpu.memory_space<vmem>>) dst(%dma_wait3A_34 : memref<315400x512xf32, #tpu.memory_space<hbm>>)
    }
    %scan3A_5 = arith.constant 8 : i32
    %scan3A_6 = arith.constant 0 : i32
    %scan3A_7 = arith.constant 0 : i32
    %scan3A_8 = arith.constant 16 : i32
    %scan3A_9 = arith.addi %scan3A_7, %scan3A_8 : i32
    %scan3A_10 = arith.constant 1 : i32
    scf.for %scan3A_12 = %scan3A_7 to %scan3A_9 step %scan3A_10  : i32 {
      %mul3A_13 = arith.constant 8 : i32
      %mul3A_14 = arith.muli %scan3A_12, %mul3A_13 : i32
      %add3A_15 = arith.constant 0 : i32
      %add3A_16 = arith.addi %mul3A_14, %add3A_15 : i32
      %dma_start3A = arith.constant 0 : i32
      %dma_start3A_17 = tpu.memref_slice %arg12[%add3A_16, %dma_start3A] : memref<128x80xi32, #tpu.memory_space<vmem>> -> memref<1x80xi32, #tpu.memory_space<vmem>>
      %dma_start3A_18 = tpu.memref_squeeze %dma_start3A_17 : memref<1x80xi32, #tpu.memory_space<vmem>> -> memref<80xi32, #tpu.memory_space<vmem>>
      %dma_start3A_19 = arith.constant 0 : i32
      %dma_start3A_20 = arith.constant 0 : i32
      %dma_start3A_21 = tpu.memref_slice %arg7[%dma_start3A_19, %dma_start3A_20] : memref<315400x512xf32, #tpu.memory_space<hbm>> -> memref<315400x512xf32, #tpu.memory_space<hbm>>
      tpu.enqueue_indirect_dma source(%arg8 : memref<80x512xf32, #tpu.memory_space<vmem>>) target(%dma_start3A_21 : memref<315400x512xf32, #tpu.memory_space<hbm>>) offsets(%dma_start3A_18 : memref<80xi32, #tpu.memory_space<vmem>>) semaphore(%arg14 : memref<!tpu.dma_semaphore, #tpu.memory_space<semaphore_mem>>)
      %mul3A_22 = arith.constant 8 : i32
      %mul3A_23 = arith.muli %scan3A_12, %mul3A_22 : i32
      %add3A_24 = arith.constant 1 : i32
      %add3A_25 = arith.addi %mul3A_23, %add3A_24 : i32
      %dma_start3A_26 = arith.constant 0 : i32
      %dma_start3A_27 = tpu.memref_slice %arg12[%add3A_25, %dma_start3A_26] : memref<128x80xi32, #tpu.memory_space<vmem>> -> memref<1x80xi32, #tpu.memory_space<vmem>>
      %dma_start3A_28 = tpu.memref_squeeze %dma_start3A_27 : memref<1x80xi32, #tpu.memory_space<vmem>> -> memref<80xi32, #tpu.memory_space<vmem>>
      %dma_start3A_29 = arith.constant 0 : i32
      %dma_start3A_30 = arith.constant 0 : i32
      %dma_start3A_31 = tpu.memref_slice %arg7[%dma_start3A_29, %dma_start3A_30] : memref<315400x512xf32, #tpu.memory_space<hbm>> -> memref<315400x512xf32, #tpu.memory_space<hbm>>
      tpu.enqueue_indirect_dma source(%arg8 : memref<80x512xf32, #tpu.memory_space<vmem>>) target(%dma_start3A_31 : memref<315400x512xf32, #tpu.memory_space<hbm>>) offsets(%dma_start3A_28 : memref<80xi32, #tpu.memory_space<vmem>>) semaphore(%arg14 : memref<!tpu.dma_semaphore, #tpu.memory_space<semaphore_mem>>)
      %mul3A_32 = arith.constant 8 : i32
      %mul3A_33 = arith.muli %scan3A_12, %mul3A_32 : i32
      %add3A_34 = arith.constant 2 : i32
      %add3A_35 = arith.addi %mul3A_33, %add3A_34 : i32
      %dma_start3A_36 = arith.constant 0 : i32
      %dma_start3A_37 = tpu.memref_slice %arg12[%add3A_35, %dma_start3A_36] : memref<128x80xi32, #tpu.memory_space<vmem>> -> memref<1x80xi32, #tpu.memory_space<vmem>>
      %dma_start3A_38 = tpu.memref_squeeze %dma_start3A_37 : memref<1x80xi32, #tpu.memory_space<vmem>> -> memref<80xi32, #tpu.memory_space<vmem>>
      %dma_start3A_39 = arith.constant 0 : i32
      %dma_start3A_40 = arith.constant 0 : i32
      %dma_start3A_41 = tpu.memref_slice %arg7[%dma_start3A_39, %dma_start3A_40] : memref<315400x512xf32, #tpu.memory_space<hbm>> -> memref<315400x512xf32, #tpu.memory_space<hbm>>
      tpu.enqueue_indirect_dma source(%arg8 : memref<80x512xf32, #tpu.memory_space<vmem>>) target(%dma_start3A_41 : memref<315400x512xf32, #tpu.memory_space<hbm>>) offsets(%dma_start3A_38 : memref<80xi32, #tpu.memory_space<vmem>>) semaphore(%arg14 : memref<!tpu.dma_semaphore, #tpu.memory_space<semaphore_mem>>)
      %mul3A_42 = arith.constant 8 : i32
      %mul3A_43 = arith.muli %scan3A_12, %mul3A_42 : i32
      %add3A_44 = arith.constant 3 : i32
      %add3A_45 = arith.addi %mul3A_43, %add3A_44 : i32
      %dma_start3A_46 = arith.constant 0 : i32
      %dma_start3A_47 = tpu.memref_slice %arg12[%add3A_45, %dma_start3A_46] : memref<128x80xi32, #tpu.memory_space<vmem>> -> memref<1x80xi32, #tpu.memory_space<vmem>>
      %dma_start3A_48 = tpu.memref_squeeze %dma_start3A_47 : memref<1x80xi32, #tpu.memory_space<vmem>> -> memref<80xi32, #tpu.memory_space<vmem>>
      %dma_start3A_49 = arith.constant 0 : i32
      %dma_start3A_50 = arith.constant 0 : i32
      %dma_start3A_51 = tpu.memref_slice %arg7[%dma_start3A_49, %dma_start3A_50] : memref<315400x512xf32, #tpu.memory_space<hbm>> -> memref<315400x512xf32, #tpu.memory_space<hbm>>
      tpu.enqueue_indirect_dma source(%arg8 : memref<80x512xf32, #tpu.memory_space<vmem>>) target(%dma_start3A_51 : memref<315400x512xf32, #tpu.memory_space<hbm>>) offsets(%dma_start3A_48 : memref<80xi32, #tpu.memory_space<vmem>>) semaphore(%arg14 : memref<!tpu.dma_semaphore, #tpu.memory_space<semaphore_mem>>)
      %mul3A_52 = arith.constant 8 : i32
      %mul3A_53 = arith.muli %scan3A_12, %mul3A_52 : i32
      %add3A_54 = arith.constant 4 : i32
      %add3A_55 = arith.addi %mul3A_53, %add3A_54 : i32
      %dma_start3A_56 = arith.constant 0 : i32
      %dma_start3A_57 = tpu.memref_slice %arg12[%add3A_55, %dma_start3A_56] : memref<128x80xi32, #tpu.memory_space<vmem>> -> memref<1x80xi32, #tpu.memory_space<vmem>>
      %dma_start3A_58 = tpu.memref_squeeze %dma_start3A_57 : memref<1x80xi32, #tpu.memory_space<vmem>> -> memref<80xi32, #tpu.memory_space<vmem>>
      %dma_start3A_59 = arith.constant 0 : i32
      %dma_start3A_60 = arith.constant 0 : i32
      %dma_start3A_61 = tpu.memref_slice %arg7[%dma_start3A_59, %dma_start3A_60] : memref<315400x512xf32, #tpu.memory_space<hbm>> -> memref<315400x512xf32, #tpu.memory_space<hbm>>
      tpu.enqueue_indirect_dma source(%arg8 : memref<80x512xf32, #tpu.memory_space<vmem>>) target(%dma_start3A_61 : memref<315400x512xf32, #tpu.memory_space<hbm>>) offsets(%dma_start3A_58 : memref<80xi32, #tpu.memory_space<vmem>>) semaphore(%arg14 : memref<!tpu.dma_semaphore, #tpu.memory_space<semaphore_mem>>)
      %mul3A_62 = arith.constant 8 : i32
      %mul3A_63 = arith.muli %scan3A_12, %mul3A_62 : i32
      %add3A_64 = arith.constant 5 : i32
      %add3A_65 = arith.addi %mul3A_63, %add3A_64 : i32
      %dma_start3A_66 = arith.constant 0 : i32
      %dma_start3A_67 = tpu.memref_slice %arg12[%add3A_65, %dma_start3A_66] : memref<128x80xi32, #tpu.memory_space<vmem>> -> memref<1x80xi32, #tpu.memory_space<vmem>>
      %dma_start3A_68 = tpu.memref_squeeze %dma_start3A_67 : memref<1x80xi32, #tpu.memory_space<vmem>> -> memref<80xi32, #tpu.memory_space<vmem>>
      %dma_start3A_69 = arith.constant 0 : i32
      %dma_start3A_70 = arith.constant 0 : i32
      %dma_start3A_71 = tpu.memref_slice %arg7[%dma_start3A_69, %dma_start3A_70] : memref<315400x512xf32, #tpu.memory_space<hbm>> -> memref<315400x512xf32, #tpu.memory_space<hbm>>
      tpu.enqueue_indirect_dma source(%arg8 : memref<80x512xf32, #tpu.memory_space<vmem>>) target(%dma_start3A_71 : memref<315400x512xf32, #tpu.memory_space<hbm>>) offsets(%dma_start3A_68 : memref<80xi32, #tpu.memory_space<vmem>>) semaphore(%arg14 : memref<!tpu.dma_semaphore, #tpu.memory_space<semaphore_mem>>)
      %mul3A_72 = arith.constant 8 : i32
      %mul3A_73 = arith.muli %scan3A_12, %mul3A_72 : i32
      %add3A_74 = arith.constant 6 : i32
      %add3A_75 = arith.addi %mul3A_73, %add3A_74 : i32
      %dma_start3A_76 = arith.constant 0 : i32
      %dma_start3A_77 = tpu.memref_slice %arg12[%add3A_75, %dma_start3A_76] : memref<128x80xi32, #tpu.memory_space<vmem>> -> memref<1x80xi32, #tpu.memory_space<vmem>>
      %dma_start3A_78 = tpu.memref_squeeze %dma_start3A_77 : memref<1x80xi32, #tpu.memory_space<vmem>> -> memref<80xi32, #tpu.memory_space<vmem>>
      %dma_start3A_79 = arith.constant 0 : i32
      %dma_start3A_80 = arith.constant 0 : i32
      %dma_start3A_81 = tpu.memref_slice %arg7[%dma_start3A_79, %dma_start3A_80] : memref<315400x512xf32, #tpu.memory_space<hbm>> -> memref<315400x512xf32, #tpu.memory_space<hbm>>
      tpu.enqueue_indirect_dma source(%arg8 : memref<80x512xf32, #tpu.memory_space<vmem>>) target(%dma_start3A_81 : memref<315400x512xf32, #tpu.memory_space<hbm>>) offsets(%dma_start3A_78 : memref<80xi32, #tpu.memory_space<vmem>>) semaphore(%arg14 : memref<!tpu.dma_semaphore, #tpu.memory_space<semaphore_mem>>)
      %mul3A_82 = arith.constant 8 : i32
      %mul3A_83 = arith.muli %scan3A_12, %mul3A_82 : i32
      %add3A_84 = arith.constant 7 : i32
      %add3A_85 = arith.addi %mul3A_83, %add3A_84 : i32
      %dma_start3A_86 = arith.constant 0 : i32
      %dma_start3A_87 = tpu.memref_slice %arg12[%add3A_85, %dma_start3A_86] : memref<128x80xi32, #tpu.memory_space<vmem>> -> memref<1x80xi32, #tpu.memory_space<vmem>>
      %dma_start3A_88 = tpu.memref_squeeze %dma_start3A_87 : memref<1x80xi32, #tpu.memory_space<vmem>> -> memref<80xi32, #tpu.memory_space<vmem>>
      %dma_start3A_89 = arith.constant 0 : i32
      %dma_start3A_90 = arith.constant 0 : i32
      %dma_start3A_91 = tpu.memref_slice %arg7[%dma_start3A_89, %dma_start3A_90] : memref<315400x512xf32, #tpu.memory_space<hbm>> -> memref<315400x512xf32, #tpu.memory_space<hbm>>
      tpu.enqueue_indirect_dma source(%arg8 : memref<80x512xf32, #tpu.memory_space<vmem>>) target(%dma_start3A_91 : memref<315400x512xf32, #tpu.memory_space<hbm>>) offsets(%dma_start3A_88 : memref<80xi32, #tpu.memory_space<vmem>>) semaphore(%arg14 : memref<!tpu.dma_semaphore, #tpu.memory_space<semaphore_mem>>)
      %dma_wait3A = arith.constant 0 : i32
      %dma_wait3A_92 = tpu.memref_slice %arg12[%add3A_16, %dma_wait3A] : memref<128x80xi32, #tpu.memory_space<vmem>> -> memref<1x80xi32, #tpu.memory_space<vmem>>
      %dma_wait3A_93 = tpu.memref_squeeze %dma_wait3A_92 : memref<1x80xi32, #tpu.memory_space<vmem>> -> memref<80xi32, #tpu.memory_space<vmem>>
      %dma_wait3A_94 = arith.constant 0 : i32
      %dma_wait3A_95 = arith.constant 0 : i32
      %dma_wait3A_96 = tpu.memref_slice %arg7[%dma_wait3A_94, %dma_wait3A_95] : memref<315400x512xf32, #tpu.memory_space<hbm>> -> memref<315400x512xf32, #tpu.memory_space<hbm>>
      tpu.wait_indirect_dma semaphore(%arg14 : memref<!tpu.dma_semaphore, #tpu.memory_space<semaphore_mem>>) src(%arg8 : memref<80x512xf32, #tpu.memory_space<vmem>>) dst(%dma_wait3A_96 : memref<315400x512xf32, #tpu.memory_space<hbm>>)
      %dma_wait3A_97 = arith.constant 0 : i32
      %dma_wait3A_98 = tpu.memref_slice %arg12[%add3A_25, %dma_wait3A_97] : memref<128x80xi32, #tpu.memory_space<vmem>> -> memref<1x80xi32, #tpu.memory_space<vmem>>
      %dma_wait3A_99 = tpu.memref_squeeze %dma_wait3A_98 : memref<1x80xi32, #tpu.memory_space<vmem>> -> memref<80xi32, #tpu.memory_space<vmem>>
      %dma_wait3A_100 = arith.constant 0 : i32
      %dma_wait3A_101 = arith.constant 0 : i32
      %dma_wait3A_102 = tpu.memref_slice %arg7[%dma_wait3A_100, %dma_wait3A_101] : memref<315400x512xf32, #tpu.memory_space<hbm>> -> memref<315400x512xf32, #tpu.memory_space<hbm>>
      tpu.wait_indirect_dma semaphore(%arg14 : memref<!tpu.dma_semaphore, #tpu.memory_space<semaphore_mem>>) src(%arg8 : memref<80x512xf32, #tpu.memory_space<vmem>>) dst(%dma_wait3A_102 : memref<315400x512xf32, #tpu.memory_space<hbm>>)
      %dma_wait3A_103 = arith.constant 0 : i32
      %dma_wait3A_104 = tpu.memref_slice %arg12[%add3A_35, %dma_wait3A_103] : memref<128x80xi32, #tpu.memory_space<vmem>> -> memref<1x80xi32, #tpu.memory_space<vmem>>
      %dma_wait3A_105 = tpu.memref_squeeze %dma_wait3A_104 : memref<1x80xi32, #tpu.memory_space<vmem>> -> memref<80xi32, #tpu.memory_space<vmem>>
      %dma_wait3A_106 = arith.constant 0 : i32
      %dma_wait3A_107 = arith.constant 0 : i32
      %dma_wait3A_108 = tpu.memref_slice %arg7[%dma_wait3A_106, %dma_wait3A_107] : memref<315400x512xf32, #tpu.memory_space<hbm>> -> memref<315400x512xf32, #tpu.memory_space<hbm>>
      tpu.wait_indirect_dma semaphore(%arg14 : memref<!tpu.dma_semaphore, #tpu.memory_space<semaphore_mem>>) src(%arg8 : memref<80x512xf32, #tpu.memory_space<vmem>>) dst(%dma_wait3A_108 : memref<315400x512xf32, #tpu.memory_space<hbm>>)
      %dma_wait3A_109 = arith.constant 0 : i32
      %dma_wait3A_110 = tpu.memref_slice %arg12[%add3A_45, %dma_wait3A_109] : memref<128x80xi32, #tpu.memory_space<vmem>> -> memref<1x80xi32, #tpu.memory_space<vmem>>
      %dma_wait3A_111 = tpu.memref_squeeze %dma_wait3A_110 : memref<1x80xi32, #tpu.memory_space<vmem>> -> memref<80xi32, #tpu.memory_space<vmem>>
      %dma_wait3A_112 = arith.constant 0 : i32
      %dma_wait3A_113 = arith.constant 0 : i32
      %dma_wait3A_114 = tpu.memref_slice %arg7[%dma_wait3A_112, %dma_wait3A_113] : memref<315400x512xf32, #tpu.memory_space<hbm>> -> memref<315400x512xf32, #tpu.memory_space<hbm>>
      tpu.wait_indirect_dma semaphore(%arg14 : memref<!tpu.dma_semaphore, #tpu.memory_space<semaphore_mem>>) src(%arg8 : memref<80x512xf32, #tpu.memory_space<vmem>>) dst(%dma_wait3A_114 : memref<315400x512xf32, #tpu.memory_space<hbm>>)
      %dma_wait3A_115 = arith.constant 0 : i32
      %dma_wait3A_116 = tpu.memref_slice %arg12[%add3A_55, %dma_wait3A_115] : memref<128x80xi32, #tpu.memory_space<vmem>> -> memref<1x80xi32, #tpu.memory_space<vmem>>
      %dma_wait3A_117 = tpu.memref_squeeze %dma_wait3A_116 : memref<1x80xi32, #tpu.memory_space<vmem>> -> memref<80xi32, #tpu.memory_space<vmem>>
      %dma_wait3A_118 = arith.constant 0 : i32
      %dma_wait3A_119 = arith.constant 0 : i32
      %dma_wait3A_120 = tpu.memref_slice %arg7[%dma_wait3A_118, %dma_wait3A_119] : memref<315400x512xf32, #tpu.memory_space<hbm>> -> memref<315400x512xf32, #tpu.memory_space<hbm>>
      tpu.wait_indirect_dma semaphore(%arg14 : memref<!tpu.dma_semaphore, #tpu.memory_space<semaphore_mem>>) src(%arg8 : memref<80x512xf32, #tpu.memory_space<vmem>>) dst(%dma_wait3A_120 : memref<315400x512xf32, #tpu.memory_space<hbm>>)
      %dma_wait3A_121 = arith.constant 0 : i32
      %dma_wait3A_122 = tpu.memref_slice %arg12[%add3A_65, %dma_wait3A_121] : memref<128x80xi32, #tpu.memory_space<vmem>> -> memref<1x80xi32, #tpu.memory_space<vmem>>
      %dma_wait3A_123 = tpu.memref_squeeze %dma_wait3A_122 : memref<1x80xi32, #tpu.memory_space<vmem>> -> memref<80xi32, #tpu.memory_space<vmem>>
      %dma_wait3A_124 = arith.constant 0 : i32
      %dma_wait3A_125 = arith.constant 0 : i32
      %dma_wait3A_126 = tpu.memref_slice %arg7[%dma_wait3A_124, %dma_wait3A_125] : memref<315400x512xf32, #tpu.memory_space<hbm>> -> memref<315400x512xf32, #tpu.memory_space<hbm>>
      tpu.wait_indirect_dma semaphore(%arg14 : memref<!tpu.dma_semaphore, #tpu.memory_space<semaphore_mem>>) src(%arg8 : memref<80x512xf32, #tpu.memory_space<vmem>>) dst(%dma_wait3A_126 : memref<315400x512xf32, #tpu.memory_space<hbm>>)
      %dma_wait3A_127 = arith.constant 0 : i32
      %dma_wait3A_128 = tpu.memref_slice %arg12[%add3A_75, %dma_wait3A_127] : memref<128x80xi32, #tpu.memory_space<vmem>> -> memref<1x80xi32, #tpu.memory_space<vmem>>
      %dma_wait3A_129 = tpu.memref_squeeze %dma_wait3A_128 : memref<1x80xi32, #tpu.memory_space<vmem>> -> memref<80xi32, #tpu.memory_space<vmem>>
      %dma_wait3A_130 = arith.constant 0 : i32
      %dma_wait3A_131 = arith.constant 0 : i32
      %dma_wait3A_132 = tpu.memref_slice %arg7[%dma_wait3A_130, %dma_wait3A_131] : memref<315400x512xf32, #tpu.memory_space<hbm>> -> memref<315400x512xf32, #tpu.memory_space<hbm>>
      tpu.wait_indirect_dma semaphore(%arg14 : memref<!tpu.dma_semaphore, #tpu.memory_space<semaphore_mem>>) src(%arg8 : memref<80x512xf32, #tpu.memory_space<vmem>>) dst(%dma_wait3A_132 : memref<315400x512xf32, #tpu.memory_space<hbm>>)
      %dma_wait3A_133 = arith.constant 0 : i32
      %dma_wait3A_134 = tpu.memref_slice %arg12[%add3A_85, %dma_wait3A_133] : memref<128x80xi32, #tpu.memory_space<vmem>> -> memref<1x80xi32, #tpu.memory_space<vmem>>
      %dma_wait3A_135 = tpu.memref_squeeze %dma_wait3A_134 : memref<1x80xi32, #tpu.memory_space<vmem>> -> memref<80xi32, #tpu.memory_space<vmem>>
      %dma_wait3A_136 = arith.constant 0 : i32
      %dma_wait3A_137 = arith.constant 0 : i32
      %dma_wait3A_138 = tpu.memref_slice %arg7[%dma_wait3A_136, %dma_wait3A_137] : memref<315400x512xf32, #tpu.memory_space<hbm>> -> memref<315400x512xf32, #tpu.memory_space<hbm>>
      tpu.wait_indirect_dma semaphore(%arg14 : memref<!tpu.dma_semaphore, #tpu.memory_space<semaphore_mem>>) src(%arg8 : memref<80x512xf32, #tpu.memory_space<vmem>>) dst(%dma_wait3A_138 : memref<315400x512xf32, #tpu.memory_space<hbm>>)
    }
    %scan3A_11 = arith.constant 16 : i32
    return
  }
}

</mosaic_0001>

<sc_bundles>
// kernel: kernel.3.cloned.1.call-start
scs
__scs_entry_jumppad:
0x0: {  	(pc) =	sbr.rel $0x88, $3  }
0x1: {  	(tag) =	ssettag $0x0;
	lr =	simm.s32 $0x1  }
0x2: {  	[smem:$0x3F9D] =	sst lr;
	_ =	strace $0xD0000000  }
0x3: {  	_ = 	snop  }
0x4: {  	_ = 	snop  }
0x5: {  	_ = 	snop  }
0x6: {  	_ = 	snop  }
0x7: {  	_ = 	snop  }
__scs_overlays_trampoline_lowered:
0x8: {  	[smem:$0x3FAC] =	sst s0  }
0x9: {  	[smem:$0x3FAD] =	sst s1  }
0xa: {  	[smem:$0x3FAE] =	sst s2  }
0xb: {  	[smem:$0x3FAF] =	sst s3  }
0xc: {  	[smem:$0x3FB0] =	sst s4  }
0xd: {  	[smem:$0x3FB1] =	sst s5  }
0xe: {  	[smem:$0x3FB2] =	sst s6  }
0xf: {  	[smem:$0x3FB3] =	sst s7  }
0x10: {  	[smem:$0x3FB4] =	sst s8  }
0x11: {  	[smem:$0x3FB5] =	sst s9;
	s0 =	simm.s32 @!p0 $0x0  }
0x12: {  	s1 =	sld [smem:$0x3F9B];
	s0 =	simm.s32 @p0 $0x1  }
0x13: {  	[smem:$0x3FB6] =	sst s0;
	s0 =	simm.s32 @!p1 $0x0  }
0x14: {  	s2 =	sld [smem:$0x3F9A];
	s0 =	simm.s32 @p1 $0x1  }
0x15: {  	[smem:$0x3FB7] =	sst s0;
	s0 =	simm.s32 @!p2 $0x0  }
0x16: {  	s3 =	sld [smem:$0x3FDB];
	s0 =	simm.s32 @p2 $0x1  }
0x17: {  	s4 =	simm.s32 $0x1BF5;
	[smem:$0x3FB9] =	sst s0  }
0x18: {  	s0 =	sld [smem:$0x3F9C];
	_ =	swait.ge [sflag:s4], $0x0  }
0x19: {  	s7 =	sld [smem:$0x3F9D]  }
0x1a: {  	s8 =	sadd.s32 $0xFFFFE003, lr  }
0x1b: {  	s9 =	sadd.s32 $0xFFFFFEF7, lr;
	s5 =	simm.s32 $0xFFFFFFFF;
	p2 =	slt.u32 s8, $0xFFFFF086  }
0x1c: {  	p1 =	slt.u32 s9, $0xF7A;
	s5 =	simm.s32 @!p2 $0x0  }
0x1d: {  	s5 =	simm.s32 @p1 $0x1;
	p0 =	seq.s32 s7, s2  }
0x1e: {  	s7 =	smul.u32 @!p0 $0xF7A, s2;
	p2 =	seq.s32 @!p0 s5, $0x0  }
0x1f: {  	s9 =	smul.u32 $0xF7A, s1;
	s8 =	simm.s32 @!p0 $0x1BF5;
	p2 =	por !p2, p0  }
0x20: {  	[sflag:s8] =	ssyncset.s32 @!p0 $0xFFFFF086;
	s6 =	sadd.s32 @!p0 s3, s7;
	s7 =	simm.s32 @!p0 $0x108  }
0x21: {  	s3 =	sadd.s32 s3, s9;
	s6 =	sadd.s32 @!p0 $0x88, s6;
	s7 =	simm.s32 @p2 $0x1082  }
0x22: {  	[simem:s7], [sflag:s8] =	dma.local @!p0 [hbm:s6], $0xF7A  }
0x23: {  	s9 =	sor.u32 $0xD0000000, s2;
	s6 =	simm.s32 $0x108;
	_ =	swait.ge @!p0 [sflag:s8], $0x0  }
0x24: {  	s3 =	sadd.s32 $0x88, s3;
	s6 =	simm.s32 @!p1 $0x1082;
	[sflag:s4] =	ssyncset.s32 $0xFFFFF086  }
0x25: {  	[simem:s6], [sflag:s4] =	dma.local [hbm:s3], $0xF7A  }
0x26: {  	[smem:$0x3F9D] =	sst s1;
	(tag) =	ssettag s2;
	_ =	strace s9  }
0x27: {  	s1 =	sld [smem:$0x3FAD]  }
0x28: {  	s2 =	sld [smem:$0x3FAE]  }
0x29: {  	s4 =	sld [smem:$0x3FB0]  }
0x2a: {  	p0 =	seq.s32 s5, $0x0;
	s5 =	sld [smem:$0x3FB1]  }
0x2b: {  	s6 =	sld [smem:$0x3FB2]  }
0x2c: {  	s7 =	sld [smem:$0x3FB3]  }
0x2d: {  	s3 =	simm.s32 $0x108;
	s8 =	sld [smem:$0x3FB4]  }
0x2e: {  	s3 =	simm.s32 @!p0 $0x1082;
	s9 =	sld [smem:$0x3FB5]  }
0x2f: {  	lr =	sadd.s32 s0, s3;
	s0 =	sld [smem:$0x3FAC]  }
0x30: {  	s3 =	sld [smem:$0x3FAF]  }
0x31: {  	[smem:$0x3FB8] =	sst s10  }
0x32: {  	s10 =	sld [smem:$0x3FB6];
	_ =	sdelay $0x3  }
0x33: {  	p0 =	seq.s32 s10, $0x1;
	s10 =	sld [smem:$0x3FB8];
	_ =	sdelay $0x3  }
0x34: {  	[smem:$0x3FB8] =	sst s10  }
0x35: {  	s10 =	sld [smem:$0x3FB7];
	_ =	sdelay $0x3  }
0x36: {  	p1 =	seq.s32 s10, $0x1;
	s10 =	sld [smem:$0x3FB8];
	_ =	sdelay $0x3  }
0x37: {  	[smem:$0x3FB8] =	sst s10  }
0x38: {  	s10 =	sld [smem:$0x3FB9]  }
0x39: {  	_ = 	snop;
	(pc) =	sbr.ind lr, $3  }
0x3a: {  	_ = 	snop  }
0x3b: {  	_ = 	snop  }
0x3c: {  	p2 =	seq.s32 s10, $0x1;
	s10 =	sld [smem:$0x3FB8]  }
0x3d: {  	_ =	shalt  }
0x3e: {  	_ =	shalt  }
0x3f: {  	_ =	shalt  }
0x40: {  	_ =	shalt  }
0x41: {  	_ =	shalt  }
0x42: {  	_ =	shalt  }
0x43: {  	_ =	shalt  }
0x44: {  	_ =	shalt  }
0x45: {  	_ =	shalt  }
0x46: {  	_ =	shalt  }
0x47: {  	_ =	shalt  }
0x48: {  	_ =	shalt  }
0x49: {  	_ =	shalt  }
0x4a: {  	_ =	shalt  }
0x4b: {  	_ =	shalt  }
0x4c: {  	_ =	shalt  }
0x4d: {  	_ =	shalt  }
0x4e: {  	_ =	shalt  }
0x4f: {  	_ =	shalt  }
0x50: {  	_ =	shalt  }
0x51: {  	_ =	shalt  }
0x52: {  	_ =	shalt  }
0x53: {  	_ =	shalt  }
0x54: {  	_ =	shalt  }
0x55: {  	_ =	shalt  }
0x56: {  	_ =	shalt  }
0x57: {  	_ =	shalt  }
0x58: {  	_ =	shalt  }
0x59: {  	_ =	shalt  }
0x5a: {  	_ =	shalt  }
0x5b: {  	_ =	shalt  }
0x5c: {  	_ =	shalt  }
0x5d: {  	_ =	shalt  }
0x5e: {  	_ =	shalt  }
0x5f: {  	_ =	shalt  }
0x60: {  	_ =	shalt  }
0x61: {  	_ =	shalt  }
0x62: {  	_ =	shalt  }
0x63: {  	_ =	shalt  }
0x64: {  	_ =	shalt  }
0x65: {  	_ =	shalt  }
0x66: {  	_ =	shalt  }
0x67: {  	_ =	shalt  }
0x68: {  	_ =	shalt  }
0x69: {  	_ =	shalt  }
0x6a: {  	_ =	shalt  }
0x6b: {  	_ =	shalt  }
0x6c: {  	_ =	shalt  }
0x6d: {  	_ =	shalt  }
0x6e: {  	_ =	shalt  }
0x6f: {  	_ =	shalt  }
0x70: {  	_ =	shalt  }
0x71: {  	_ =	shalt  }
0x72: {  	_ =	shalt  }
0x73: {  	_ =	shalt  }
0x74: {  	_ =	shalt  }
0x75: {  	_ =	shalt  }
0x76: {  	_ =	shalt  }
0x77: {  	_ =	shalt  }
0x78: {  	_ =	shalt  }
0x79: {  	_ =	shalt  }
0x7a: {  	_ =	shalt  }
0x7b: {  	_ =	shalt  }
0x7c: {  	_ =	shalt  }
0x7d: {  	_ =	shalt  }
0x7e: {  	_ =	shalt  }
0x7f: {  	_ =	shalt  }
0x80: {  	_ =	shalt  }
0x81: {  	_ =	shalt  }
0x82: {  	_ =	shalt  }
0x83: {  	_ =	shalt  }
0x84: {  	_ =	shalt  }
0x85: {  	_ =	shalt  }
0x86: {  	_ =	shalt  }
0x87: {  	_ =	shalt  }
.Lfunc_end0:
.L_simem_size_0:
called_computation.1_lowered:
.L_overlay_start_0:
0x88: {  	s2 =	sld [smem:$0x3FD9]  }
0x89: {  	s3 =	sld [smem:$0x3FFE];
	_ =	sdelay $0x1  }
0x8a: {  	s1 =	srdreg.scid  }
0x8b: {  	s0 =	sand.u32 $0x1, s1  }
0x8c: {  	s17 =	sshll.u32 s0, $0xA;
	s2 =	sadd.s32 s3, s2  }
0x8d: {  	s2 =	sadd.s32 s2, s17  }
0x8e: {  	[smem:$0x3FC4] =	sst s2  }
0x8f: {  	_ = 	snop  }
0x90: {  	s2 =	sld [smem:$0x3FD0];
	(tm) =	ssettm $0x1  }
0x91: {  	s18 =	sld [smem:$0x3FFB];
	_ =	sdelay $0x3  }
0x92: {  	_ =	strace s18  }
0x93: {  	s3 =	sld [smem:$0x3FFC];
	_ =	sdelay $0x3  }
0x94: {  	_ =	strace s3  }
0x95: {  	s3 =	sld [smem:$0x3FFD];
	_ =	sdelay $0x3  }
0x96: {  	_ =	strace s3  }
0x97: {  	_ =	strace $0x8FFFFFFF  }
0x98: {  	s19 =	sld [smem:$0x3FDB];
	_ =	sdelay $0x1  }
0x99: {  	s4 =	simm.s32 $_scs_section_size  }
0x9a: {  	s5 =	simm.s32 $_size__tile_overlayer_lowered;
	s6 =	simm.s32 $_tile_overlayer_lowered  }
0x9b: {  	s22 =	simm.s32 $0x1BFF;
	s21 =	sshll.u32 s6, $0x1;
	s3 =	sadd.s32 s4, s19  }
0x9c: {  	s7 =	simm.s32 $0x0;
	s20 =	sshll.u32 s5, $0x1;
	s5 =	sadd.s32 s21, s3  }
0x9d: {  	[timem:s7], [sflag:s22] =	dma.local [hbm:s5], s20  }
0x9e: {  	_ =	swait.ge [sflag:s22], s20  }
0x9f: {  	s4 =	ssub.s32 $0x0, s20;
	[sflag:s22] =	ssyncset.done $0x0  }
0xa0: {  	[sflag:s22] =	ssyncadd.s32 s4;
	_ =	sdelay $0x1  }
0xa1: {  	s23 =	simm.s32 $0x1B8B  }
0xa2: {  	_ =	swait.ge [sflag:s23], $0x1  }
0xa3: {  	[sflag:s23] =	ssyncset.done $0x0  }
0xa4: {  	s25 =	simm.s32 $0x1B8E;
	s24 =	sld [smem:$0x3FFE];
	[sflag:s23] =	ssyncadd.s32 $0xFFFFFFFF  }
0xa5: {  	s26 =	simm.s32 $execute0_lowered;
	[smem:$0x3FD2] =	sst s25  }
0xa6: {  	s5 =	sshll.u32 s26, $0x1;
	_ =	strace $0x80000046;
	[dreg:$0x1] =	wrdreg $0xFFFFFFFF  }
0xa7: {  	s28 =	simm.s32 $_size_execute0_lowered;
	s3 =	sadd.s32 s3, s5;
	[dreg:$0x0] =	wrdreg $0x0  }
0xa8: {  	s5 =	sshll.u32 s28, $0x1;
	[dreg:$0x2] =	wrdreg s3  }
0xa9: {  	[dreg:$0x3] =	wrdreg s5  }
0xaa: {  	[dreg:$0x4] =	wrdreg $0xC0  }
0xab: {  	_ =	task [dreg:s7], $0x5FFFF  }
0xac: {  	[dreg:$0x1] =	wrdreg $0xFFFFFFFF  }
0xad: {  	[dreg:$0x0] =	wrdreg $0x60  }
0xae: {  	[dreg:$0x2] =	wrdreg s24  }
0xaf: {  	[dreg:$0x3] =	wrdreg s2  }
0xb0: {  	[dreg:$0x4] =	wrdreg $0x9  }
0xb1: {  	_ =	task.clear_ibuf [dreg:s7], $0x5FFFF;
	_ =	strace $0x90000046  }
0xb2: {  	s29 =	simm.s32 $0x9;
	_ =	strace $0x80000048  }
0xb3: {  	_ =	swait.ge [sflag:s29], $0x1  }
0xb4: {  	[sflag:s29] =	ssyncadd.s32 $0xFFFFFFFF  }
0xb5: {  	_ =	strace $0x90000048  }
0xb6: {  	_ =	sfence  }
0xb7: {  	s30 =	sld [smem:$0x0];
	_ =	sdelay $0x2  }
0xb8: {  	s31 =	sshll.u32 s1, $0xD;
	s1 =	sshrl.u32 s1, $0x2  }
0xb9: {  	s3 =	sand.u32 $0x4000, s31;
	s1 =	sadd.s32 s1, s30  }
0xba: {  	s0 =	sor.u32 s3, s0;
	s1 =	sshll.u32 s1, $0x11  }
0xbb: {  	s0 =	sor.u32 s1, s0  }
0xbc: {  	s0 =	sadd.s32 $0x8F2B, s0  }
0xbd: {  	[sflag:s0] =	ssyncadd.remote.s32 $0x1  }
0xbe: {  	_ =	sfence.sel $0xFFFF  }
0xbf: {  	[dreg:$0x0] =	wrdreg $0xFFFFFFFF;
	(pc) =	sbr.abs _section_cstart, $3  }
0xc0: {  	[dreg:$0x1] =	wrdreg $0xFFFFFFFF  }
0xc1: {  	_ =	task.clear_ibuf [dreg:s7], $0x2FFFF;
	_ =	strace $0x9FFFFFFF  }
0xc2: {  	(tm) =	ssettm $0x7FFFFFFF  }
0xc3: {  	_ =	shalt  }
tec
execute0_lowered:
.L_overlay_start_1:
0x0: {  	(tag) =	ssettag $0x1  }
0x1: {  	s0 =	rddreg [dreg:$0x0]  }
0x2: {  	s1 =	rddreg [dreg:$0x1];
	s2 =	simm.s32 $0x0;
	s3 =	srdreg.scid  }
0x3: {  	s5 =	stileid.u32;
	s21 =	simm.s32 $0x7800;
	s22 =	simm.s32 $0x8000  }
0x4: {  	s23 =	simm.s32 $0x8800;
	s24 =	simm.s32 $0x9000;
	s31 =	simm.s32 $0xA000  }
0x5: {  	s19 =	simm.s32 $0x11800;
	s20 =	simm.s32 $0x1;
	[smem:$0x7FF] =	sst s2  }
0x6: {  	s4 =	sand.u32 $0x1, s3;
	s25 =	sshll.u32 s5, $0x1;
	s7 =	sadd.s32 $0x186EA00, s0  }
0x7: {  	s3 =	sadd.s32 $0x4A00, s0;
	s5 =	sadd.s32 $0x186FE00, s0;
	s9 =	sadd.s32 $0x4B00, s0  }
0x8: {  	s10 =	sadd.s32 $0x186FF00, s0;
	_ =	strace $0x80000047;
	s6 =	sor.u32 s4, s25  }
0x9: {  	s4 =	ssub.s32 $0x2, s4;
	s26 =	sshll.u32 s6, $0x7;
	s6 =	sshll.u32 s6, $0xB  }
0xa: {  	[dreg:$0x3] =	wrdreg s7;
	s28 =	sadd.s32 s26, s0;
	s1 =	sadd.s32 s1, s6  }
0xb: {  	s8 =	sshrl.u32 s4, $0x1;
	s29 =	sadd.s32 $0x3600, s28;
	[dreg:$0x6] =	wrdreg s1  }
0xc: {  	v2 =	vlaneseq.u32;
	s4 =	ssub.s32 s4, s8;
	s7 =	sadd.s32 $0x2600, s28;
	[dreg:$0x4] =	wrdreg s29  }
0xd: {  	vm0 =	vmmov $0xffff;
	v1 =	vshrl.u32 v2, $0x3;
	s25 =	simm.s32 $0x9800;
	s30 =	smax.u32 s4, $0x1;
	[dreg:$0x5] =	wrdreg s7  }
0xe: {  	v0 =	vand.u32 $0x7, v2;
	v2 =	vor.u32 $0x8, v2;
	v1 =	vmul.u32 $0x8, v1;
	s26 =	simm.s32 $0x2;
	s0 =	simm.s32 $0x0;
	[dreg:$0x7] =	wrdreg s30  }
.LBB2_1:
0xf: {  	[dreg:$0x8] =	wrdreg s0  }
0x10: {  	s28 =	rddreg [dreg:$0x3];
	s29 =	simm.s32 $0x3  }
0x11: {  	[tilespmem:s2], [sflag:$0x3] =	stream.linear.gather [hbm4b:s28+s2], $0xA000, $0x38;
	[tilespmem:$0x16800] =	vst v63  }
0x12: {  	_ =	swait.ge [sflag:s29], $0xA000  }
0x13: {  	[sflag:s29] =	ssyncset.done $0x0  }
0x14: {  	s30 =	simm.s32 $0x12000;
	s14 =	rddreg [dreg:$0x4];
	[sflag:s29] =	ssyncadd.s32 $0xFFFF6000  }
0x15: {  	[tilespmem:s30], [sflag:$0x3] =	stream.linear.gather [hbm4b:s14+s2], $0x400, $0x38;
	[tilespmem:$0x16800] =	vst v63  }
0x16: {  	_ =	swait.ge [sflag:s29], $0x400  }
0x17: {  	[sflag:s29] =	ssyncset.done $0x0  }
0x18: {  	s16 =	simm.s32 $0x12400;
	s15 =	rddreg [dreg:$0x5];
	[sflag:s29] =	ssyncadd.s32 $0xFFFFFC00  }
0x19: {  	[tilespmem:s16], [sflag:$0x3] =	stream.linear.gather [hbm4b:s15+s2], $0x400, $0x38;
	[tilespmem:$0x16800] =	vst v63  }
0x1a: {  	_ =	swait.ge [sflag:s29], $0x400  }
0x1b: {  	[sflag:s29] =	ssyncset.done $0x0  }
0x1c: {  	s18 =	simm.s32 $0x12800;
	s17 =	rddreg [dreg:$0x6];
	[sflag:s29] =	ssyncadd.s32 $0xFFFFFC00  }
0x1d: {  	[tilespmem:s18], [sflag:$0x3] =	stream.linear.gather [hbm4b:s17+s2], $0x4000, $0x38;
	[tilespmem:$0x16800] =	vst v63  }
0x1e: {  	_ =	swait.ge [sflag:s29], $0x4000  }
0x1f: {  	[sflag:s29] =	ssyncset.done $0x0  }
0x20: {  	[sflag:s29] =	ssyncadd.s32 $0xFFFFC000;
	s29 =	simm.s32 $0x0  }
.LBB2_2:
0x21: {  	s30 =	sshra.s32 s29, $0x2  }
0x22: {  	v3 =	vld [tilespmem:s30+$0x12000];
	_ =	sdelay $0x4  }
0x23: {  	v4 =	vshll.u32 v3, $0x2  }
0x24: {  	v3 =	vand.u32 $0x7, v3;
	v4 =	vand.u32 $0xFFFFFFE0, v4  }
0x25: {  	v3 =	vor.u32 v3, v4  }
0x26: {  	v4 =	vperm.xlane v3, v0;
	_ =	sdelay $0x1  }
0x27: {  	v4 =	vadd.s32 v1, v4;
	_ =	sdelay $0x1  }
0x28: {  	v3 =	vperm.xlane v3, v2;
	_ =	sdelay $0x1  }
0x29: {  	s28 =	simm.s32 $0x0;
	v3 =	vadd.s32 v1, v3  }
0x2a: {  	[tilespmem:s31], [sflag:$0x1] =	stream.indirect_vreg.gather [hbm4b:s3+s28], $0x80, v4, vm0, $0xb8;
	[tilespmem:$0x16800] =	vst v63  }
0x2b: {  	s0 =	simm.s32 $0xA800  }
0x2c: {  	[tilespmem:s0], [sflag:$0x1] =	stream.indirect_vreg.gather [hbm4b:s9+s28], $0x80, v4, vm0, $0xb8;
	[tilespmem:$0x16800] =	vst v63  }
0x2d: {  	s1 =	simm.s32 $0xB000  }
0x2e: {  	[tilespmem:s1], [sflag:$0x1] =	stream.indirect_vreg.gather [hbm4b:s3+s28], $0x80, v3, vm0, $0xb8;
	[tilespmem:$0x16800] =	vst v63  }
0x2f: {  	s13 =	simm.s32 $0xB800  }
0x30: {  	[tilespmem:s13], [sflag:$0x1] =	stream.indirect_vreg.gather [hbm4b:s9+s28], $0x80, v3, vm0, $0xb8;
	[tilespmem:$0x16800] =	vst v63  }
0x31: {  	v3 =	vld [tilespmem:s30+$0x12010];
	_ =	sdelay $0x4  }
0x32: {  	v57 =	vshll.u32 v3, $0x2  }
0x33: {  	v3 =	vand.u32 $0x7, v3;
	v4 =	vand.u32 $0xFFFFFFE0, v57  }
0x34: {  	v3 =	vor.u32 v3, v4  }
0x35: {  	v4 =	vperm.xlane v3, v0;
	_ =	sdelay $0x1  }
0x36: {  	v4 =	vadd.s32 v1, v4;
	_ =	sdelay $0x1  }
0x37: {  	v3 =	vperm.xlane v3, v2;
	_ =	sdelay $0x1  }
0x38: {  	s14 =	simm.s32 $0xC000;
	v3 =	vadd.s32 v1, v3  }
0x39: {  	[tilespmem:s14], [sflag:$0x1] =	stream.indirect_vreg.gather [hbm4b:s3+s28], $0x80, v4, vm0, $0xb8;
	[tilespmem:$0x16800] =	vst v63  }
0x3a: {  	s15 =	simm.s32 $0xC800  }
0x3b: {  	[tilespmem:s15], [sflag:$0x1] =	stream.indirect_vreg.gather [hbm4b:s9+s28], $0x80, v4, vm0, $0xb8;
	[tilespmem:$0x16800] =	vst v63  }
0x3c: {  	s4 =	simm.s32 $0xD000  }
0x3d: {  	[tilespmem:s4], [sflag:$0x1] =	stream.indirect_vreg.gather [hbm4b:s3+s28], $0x80, v3, vm0, $0xb8;
	[tilespmem:$0x16800] =	vst v63  }
0x3e: {  	s6 =	simm.s32 $0xD800  }
0x3f: {  	[tilespmem:s6], [sflag:$0x1] =	stream.indirect_vreg.gather [hbm4b:s9+s28], $0x80, v3, vm0, $0xb8;
	[tilespmem:$0x16800] =	vst v63  }
0x40: {  	v3 =	vld [tilespmem:s30+$0x12020];
	_ =	sdelay $0x4  }
0x41: {  	v58 =	vshll.u32 v3, $0x2  }
0x42: {  	v3 =	vand.u32 $0x7, v3;
	v4 =	vand.u32 $0xFFFFFFE0, v58  }
0x43: {  	v3 =	vor.u32 v3, v4  }
0x44: {  	v4 =	vperm.xlane v3, v0;
	_ =	sdelay $0x1  }
0x45: {  	v4 =	vadd.s32 v1, v4;
	_ =	sdelay $0x1  }
0x46: {  	v3 =	vperm.xlane v3, v2;
	_ =	sdelay $0x1  }
0x47: {  	s7 =	simm.s32 $0xE000;
	v3 =	vadd.s32 v1, v3  }
0x48: {  	[tilespmem:s7], [sflag:$0x1] =	stream.indirect_vreg.gather [hbm4b:s3+s28], $0x80, v4, vm0, $0xb8;
	[tilespmem:$0x16800] =	vst v63  }
0x49: {  	s8 =	simm.s32 $0xE800  }
0x4a: {  	[tilespmem:s8], [sflag:$0x1] =	stream.indirect_vreg.gather [hbm4b:s9+s28], $0x80, v4, vm0, $0xb8;
	[tilespmem:$0x16800] =	vst v63  }
0x4b: {  	s11 =	simm.s32 $0xF000  }
0x4c: {  	[tilespmem:s11], [sflag:$0x1] =	stream.indirect_vreg.gather [hbm4b:s3+s28], $0x80, v3, vm0, $0xb8;
	[tilespmem:$0x16800] =	vst v63  }
0x4d: {  	s12 =	simm.s32 $0xF800  }
0x4e: {  	[tilespmem:s12], [sflag:$0x1] =	stream.indirect_vreg.gather [hbm4b:s9+s28], $0x80, v3, vm0, $0xb8;
	[tilespmem:$0x16800] =	vst v63  }
0x4f: {  	v3 =	vld [tilespmem:s30+$0x12030];
	_ =	sdelay $0x4  }
0x50: {  	v59 =	vshll.u32 v3, $0x2  }
0x51: {  	v3 =	vand.u32 $0x7, v3;
	v4 =	vand.u32 $0xFFFFFFE0, v59  }
0x52: {  	v3 =	vor.u32 v3, v4  }
0x53: {  	v4 =	vperm.xlane v3, v0;
	_ =	sdelay $0x1  }
0x54: {  	v4 =	vadd.s32 v1, v4;
	_ =	sdelay $0x1  }
0x55: {  	v3 =	vperm.xlane v3, v2;
	_ =	sdelay $0x1  }
0x56: {  	s16 =	simm.s32 $0x10000;
	v3 =	vadd.s32 v1, v3  }
0x57: {  	[tilespmem:s16], [sflag:$0x1] =	stream.indirect_vreg.gather [hbm4b:s3+s28], $0x80, v4, vm0, $0xb8;
	[tilespmem:$0x16800] =	vst v63  }
0x58: {  	s17 =	simm.s32 $0x10800  }
0x59: {  	[tilespmem:s17], [sflag:$0x1] =	stream.indirect_vreg.gather [hbm4b:s9+s28], $0x80, v4, vm0, $0xb8;
	[tilespmem:$0x16800] =	vst v63  }
0x5a: {  	s18 =	simm.s32 $0x11000  }
0x5b: {  	[tilespmem:s18], [sflag:$0x1] =	stream.indirect_vreg.gather [hbm4b:s3+s28], $0x80, v3, vm0, $0xb8;
	[tilespmem:$0x16800] =	vst v63  }
0x5c: {  	_ = 	snop  }
0x5d: {  	[tilespmem:s19], [sflag:$0x1] =	stream.indirect_vreg.gather [hbm4b:s9+s28], $0x80, v3, vm0, $0xb8;
	[tilespmem:$0x16800] =	vst v63  }
0x5e: {  	_ =	swait.ge [sflag:s20], $0x8000  }
0x5f: {  	[sflag:s20] =	ssyncset.done $0x0  }
0x60: {  	[sflag:s20] =	ssyncadd.s32 $0xFFFF8000  }
0x61: {  	v3 =	vld [tilespmem:s30+$0x12400];
	_ =	sdelay $0x4  }
0x62: {  	v60 =	vshll.u32 v3, $0x2  }
0x63: {  	v3 =	vand.u32 $0x7, v3;
	v4 =	vand.u32 $0xFFFFFFE0, v60  }
0x64: {  	v3 =	vor.u32 v3, v4  }
0x65: {  	v4 =	vperm.xlane v3, v0;
	_ =	sdelay $0x1  }
0x66: {  	v4 =	vadd.s32 v1, v4;
	_ =	sdelay $0x1  }
0x67: {  	v3 =	vperm.xlane v3, v2;
	_ =	sdelay $0x1  }
0x68: {  	v3 =	vadd.s32 v1, v3  }
0x69: {  	[hbm4b:s5+s28] =	stream.indirect_vreg.scatter [tilespmem:s31], [sflag:$0x1], $0x80, v4, vm0, $0xb8;
	[tilespmem:$0x16800] =	vst v63  }
0x6a: {  	_ = 	snop  }
0x6b: {  	[hbm4b:s10+s28] =	stream.indirect_vreg.scatter [tilespmem:s0], [sflag:$0x1], $0x80, v4, vm0, $0xb8;
	[tilespmem:$0x16800] =	vst v63  }
0x6c: {  	_ = 	snop  }
0x6d: {  	[hbm4b:s5+s28] =	stream.indirect_vreg.scatter [tilespmem:s1], [sflag:$0x1], $0x80, v3, vm0, $0xb8;
	[tilespmem:$0x16800] =	vst v63  }
0x6e: {  	_ = 	snop  }
0x6f: {  	[hbm4b:s10+s28] =	stream.indirect_vreg.scatter [tilespmem:s13], [sflag:$0x1], $0x80, v3, vm0, $0xb8;
	[tilespmem:$0x16800] =	vst v63  }
0x70: {  	v3 =	vld [tilespmem:s30+$0x12410];
	_ =	sdelay $0x4  }
0x71: {  	v61 =	vshll.u32 v3, $0x2  }
0x72: {  	v3 =	vand.u32 $0x7, v3;
	v4 =	vand.u32 $0xFFFFFFE0, v61  }
0x73: {  	v3 =	vor.u32 v3, v4  }
0x74: {  	v4 =	vperm.xlane v3, v0;
	_ =	sdelay $0x1  }
0x75: {  	v4 =	vadd.s32 v1, v4;
	_ =	sdelay $0x1  }
0x76: {  	v3 =	vperm.xlane v3, v2;
	_ =	sdelay $0x1  }
0x77: {  	v3 =	vadd.s32 v1, v3  }
0x78: {  	[hbm4b:s5+s28] =	stream.indirect_vreg.scatter [tilespmem:s14], [sflag:$0x1], $0x80, v4, vm0, $0xb8;
	[tilespmem:$0x16800] =	vst v63  }
0x79: {  	_ = 	snop  }
0x7a: {  	[hbm4b:s10+s28] =	stream.indirect_vreg.scatter [tilespmem:s15], [sflag:$0x1], $0x80, v4, vm0, $0xb8;
	[tilespmem:$0x16800] =	vst v63  }
0x7b: {  	_ = 	snop  }
0x7c: {  	[hbm4b:s5+s28] =	stream.indirect_vreg.scatter [tilespmem:s4], [sflag:$0x1], $0x80, v3, vm0, $0xb8;
	[tilespmem:$0x16800] =	vst v63  }
0x7d: {  	_ = 	snop  }
0x7e: {  	[hbm4b:s10+s28] =	stream.indirect_vreg.scatter [tilespmem:s6], [sflag:$0x1], $0x80, v3, vm0, $0xb8;
	[tilespmem:$0x16800] =	vst v63  }
0x7f: {  	v3 =	vld [tilespmem:s30+$0x12420];
	_ =	sdelay $0x4  }
0x80: {  	v62 =	vshll.u32 v3, $0x2  }
0x81: {  	v3 =	vand.u32 $0x7, v3;
	v4 =	vand.u32 $0xFFFFFFE0, v62  }
0x82: {  	v3 =	vor.u32 v3, v4  }
0x83: {  	v4 =	vperm.xlane v3, v0;
	_ =	sdelay $0x1  }
0x84: {  	v4 =	vadd.s32 v1, v4;
	_ =	sdelay $0x1  }
0x85: {  	v3 =	vperm.xlane v3, v2;
	_ =	sdelay $0x1  }
0x86: {  	v3 =	vadd.s32 v1, v3  }
0x87: {  	[hbm4b:s5+s28] =	stream.indirect_vreg.scatter [tilespmem:s7], [sflag:$0x1], $0x80, v4, vm0, $0xb8;
	[tilespmem:$0x16800] =	vst v63  }
0x88: {  	_ = 	snop  }
0x89: {  	[hbm4b:s10+s28] =	stream.indirect_vreg.scatter [tilespmem:s8], [sflag:$0x1], $0x80, v4, vm0, $0xb8;
	[tilespmem:$0x16800] =	vst v63  }
0x8a: {  	_ = 	snop  }
0x8b: {  	[hbm4b:s5+s28] =	stream.indirect_vreg.scatter [tilespmem:s11], [sflag:$0x1], $0x80, v3, vm0, $0xb8;
	[tilespmem:$0x16800] =	vst v63  }
0x8c: {  	_ = 	snop  }
0x8d: {  	[hbm4b:s10+s28] =	stream.indirect_vreg.scatter [tilespmem:s12], [sflag:$0x1], $0x80, v3, vm0, $0xb8;
	[tilespmem:$0x16800] =	vst v63  }
0x8e: {  	v3 =	vld [tilespmem:s30+$0x12430];
	_ =	sdelay $0x4  }
0x8f: {  	v63 =	vshll.u32 v3, $0x2  }
0x90: {  	v3 =	vand.u32 $0x7, v3;
	v4 =	vand.u32 $0xFFFFFFE0, v63  }
0x91: {  	v3 =	vor.u32 v3, v4  }
0x92: {  	v4 =	vperm.xlane v3, v0;
	_ =	sdelay $0x1  }
0x93: {  	v4 =	vadd.s32 v1, v4;
	_ =	sdelay $0x1  }
0x94: {  	v3 =	vperm.xlane v3, v2;
	_ =	sdelay $0x1  }
0x95: {  	v3 =	vadd.s32 v1, v3  }
0x96: {  	[hbm4b:s5+s28] =	stream.indirect_vreg.scatter [tilespmem:s16], [sflag:$0x1], $0x80, v4, vm0, $0xb8;
	[tilespmem:$0x16800] =	vst v63  }
0x97: {  	_ = 	snop  }
0x98: {  	[hbm4b:s10+s28] =	stream.indirect_vreg.scatter [tilespmem:s17], [sflag:$0x1], $0x80, v4, vm0, $0xb8;
	[tilespmem:$0x16800] =	vst v63  }
0x99: {  	p0 =	sne.s32 s29, $0xE00  }
0x9a: {  	[hbm4b:s5+s28] =	stream.indirect_vreg.scatter [tilespmem:s18], [sflag:$0x1], $0x80, v3, vm0, $0xb8;
	[tilespmem:$0x16800] =	vst v63  }
.Ltmp0:
0x9b: {  	_ = 	snop;
	(pc) =	sbr.rel @p0 .LBB2_2-.Ltmp0, $4  }
0x9c: {  	[hbm4b:s10+s28] =	stream.indirect_vreg.scatter [tilespmem:s19], [sflag:$0x1], $0x80, v3, vm0, $0xb8;
	[tilespmem:$0x16800] =	vst v63  }
0x9d: {  	_ =	swait.ge [sflag:s20], $0x8000  }
0x9e: {  	[sflag:s20] =	ssyncset.done $0x0  }
0x9f: {  	s29 =	sadd.s32 $0x200, s29;
	[sflag:s20] =	ssyncadd.s32 $0xFFFF8000  }
.LBB2_3:
0xa0: {  	s29 =	sshra.s32 s28, $0x2  }
0xa1: {  	v3 =	vld [tilespmem:s29+$0x12800];
	_ =	sdelay $0x4  }
0xa2: {  	v4 =	vshll.u32 v3, $0x2  }
0xa3: {  	v3 =	vand.u32 $0x7, v3;
	v4 =	vand.u32 $0xFFFFFFE0, v4  }
0xa4: {  	v3 =	vor.u32 v3, v4  }
0xa5: {  	v4 =	vperm.xlane v3, v0;
	_ =	sdelay $0x1  }
0xa6: {  	v4 =	vadd.s32 v1, v4;
	_ =	sdelay $0x1  }
0xa7: {  	v3 =	vperm.xlane v3, v2;
	_ =	sdelay $0x1  }
0xa8: {  	v3 =	vadd.s32 v1, v3  }
0xa9: {  	[hbm4b:s5+s2] =	stream.indirect_vreg.scatter [tilespmem:s2], [sflag:$0x2], $0x80, v4, vm0, $0xb8;
	[tilespmem:$0x16800] =	vst v63  }
0xaa: {  	s0 =	simm.s32 $0x800  }
0xab: {  	[hbm4b:s10+s2] =	stream.indirect_vreg.scatter [tilespmem:s0], [sflag:$0x2], $0x80, v4, vm0, $0xb8;
	[tilespmem:$0x16800] =	vst v63  }
0xac: {  	s1 =	simm.s32 $0x1000  }
0xad: {  	[hbm4b:s5+s2] =	stream.indirect_vreg.scatter [tilespmem:s1], [sflag:$0x2], $0x80, v3, vm0, $0xb8;
	[tilespmem:$0x16800] =	vst v63  }
0xae: {  	s4 =	simm.s32 $0x1800  }
0xaf: {  	[hbm4b:s10+s2] =	stream.indirect_vreg.scatter [tilespmem:s4], [sflag:$0x2], $0x80, v3, vm0, $0xb8;
	[tilespmem:$0x16800] =	vst v63  }
0xb0: {  	v3 =	vld [tilespmem:s29+$0x12810];
	_ =	sdelay $0x4  }
0xb1: {  	v25 =	vshll.u32 v3, $0x2  }
0xb2: {  	v3 =	vand.u32 $0x7, v3;
	v4 =	vand.u32 $0xFFFFFFE0, v25  }
0xb3: {  	v3 =	vor.u32 v3, v4  }
0xb4: {  	v4 =	vperm.xlane v3, v0;
	_ =	sdelay $0x1  }
0xb5: {  	v4 =	vadd.s32 v1, v4;
	_ =	sdelay $0x1  }
0xb6: {  	v3 =	vperm.xlane v3, v2;
	_ =	sdelay $0x1  }
0xb7: {  	s6 =	simm.s32 $0x2000;
	v3 =	vadd.s32 v1, v3  }
0xb8: {  	[hbm4b:s5+s2] =	stream.indirect_vreg.scatter [tilespmem:s6], [sflag:$0x2], $0x80, v4, vm0, $0xb8;
	[tilespmem:$0x16800] =	vst v63  }
0xb9: {  	s7 =	simm.s32 $0x2800  }
0xba: {  	[hbm4b:s10+s2] =	stream.indirect_vreg.scatter [tilespmem:s7], [sflag:$0x2], $0x80, v4, vm0, $0xb8;
	[tilespmem:$0x16800] =	vst v63  }
0xbb: {  	s8 =	simm.s32 $0x3000  }
0xbc: {  	[hbm4b:s5+s2] =	stream.indirect_vreg.scatter [tilespmem:s8], [sflag:$0x2], $0x80, v3, vm0, $0xb8;
	[tilespmem:$0x16800] =	vst v63  }
0xbd: {  	s11 =	simm.s32 $0x3800  }
0xbe: {  	[hbm4b:s10+s2] =	stream.indirect_vreg.scatter [tilespmem:s11], [sflag:$0x2], $0x80, v3, vm0, $0xb8;
	[tilespmem:$0x16800] =	vst v63  }
0xbf: {  	v3 =	vld [tilespmem:s29+$0x12820];
	_ =	sdelay $0x4  }
0xc0: {  	v26 =	vshll.u32 v3, $0x2  }
0xc1: {  	v3 =	vand.u32 $0x7, v3;
	v4 =	vand.u32 $0xFFFFFFE0, v26  }
0xc2: {  	v3 =	vor.u32 v3, v4  }
0xc3: {  	v4 =	vperm.xlane v3, v0;
	_ =	sdelay $0x1  }
0xc4: {  	v4 =	vadd.s32 v1, v4;
	_ =	sdelay $0x1  }
0xc5: {  	v3 =	vperm.xlane v3, v2;
	_ =	sdelay $0x1  }
0xc6: {  	s12 =	simm.s32 $0x4000;
	v3 =	vadd.s32 v1, v3  }
0xc7: {  	[hbm4b:s5+s2] =	stream.indirect_vreg.scatter [tilespmem:s12], [sflag:$0x2], $0x80, v4, vm0, $0xb8;
	[tilespmem:$0x16800] =	vst v63  }
0xc8: {  	s13 =	simm.s32 $0x4800  }
0xc9: {  	[hbm4b:s10+s2] =	stream.indirect_vreg.scatter [tilespmem:s13], [sflag:$0x2], $0x80, v4, vm0, $0xb8;
	[tilespmem:$0x16800] =	vst v63  }
0xca: {  	s14 =	simm.s32 $0x5000  }
0xcb: {  	[hbm4b:s5+s2] =	stream.indirect_vreg.scatter [tilespmem:s14], [sflag:$0x2], $0x80, v3, vm0, $0xb8;
	[tilespmem:$0x16800] =	vst v63  }
0xcc: {  	s15 =	simm.s32 $0x5800  }
0xcd: {  	[hbm4b:s10+s2] =	stream.indirect_vreg.scatter [tilespmem:s15], [sflag:$0x2], $0x80, v3, vm0, $0xb8;
	[tilespmem:$0x16800] =	vst v63  }
0xce: {  	v3 =	vld [tilespmem:s29+$0x12830];
	_ =	sdelay $0x4  }
0xcf: {  	v27 =	vshll.u32 v3, $0x2  }
0xd0: {  	v3 =	vand.u32 $0x7, v3;
	v4 =	vand.u32 $0xFFFFFFE0, v27  }
0xd1: {  	v3 =	vor.u32 v3, v4  }
0xd2: {  	v4 =	vperm.xlane v3, v0;
	_ =	sdelay $0x1  }
0xd3: {  	v4 =	vadd.s32 v1, v4;
	_ =	sdelay $0x1  }
0xd4: {  	v3 =	vperm.xlane v3, v2;
	_ =	sdelay $0x1  }
0xd5: {  	s16 =	simm.s32 $0x6000;
	v3 =	vadd.s32 v1, v3  }
0xd6: {  	[hbm4b:s5+s2] =	stream.indirect_vreg.scatter [tilespmem:s16], [sflag:$0x2], $0x80, v4, vm0, $0xb8;
	[tilespmem:$0x16800] =	vst v63  }
0xd7: {  	s17 =	simm.s32 $0x6800  }
0xd8: {  	[hbm4b:s10+s2] =	stream.indirect_vreg.scatter [tilespmem:s17], [sflag:$0x2], $0x80, v4, vm0, $0xb8;
	[tilespmem:$0x16800] =	vst v63  }
0xd9: {  	s18 =	simm.s32 $0x7000  }
0xda: {  	[hbm4b:s5+s2] =	stream.indirect_vreg.scatter [tilespmem:s18], [sflag:$0x2], $0x80, v3, vm0, $0xb8;
	[tilespmem:$0x16800] =	vst v63  }
0xdb: {  	_ = 	snop  }
0xdc: {  	[hbm4b:s10+s2] =	stream.indirect_vreg.scatter [tilespmem:s21], [sflag:$0x2], $0x80, v3, vm0, $0xb8;
	[tilespmem:$0x16800] =	vst v63  }
0xdd: {  	v3 =	vld [tilespmem:s29+$0x12840];
	_ =	sdelay $0x4  }
0xde: {  	v28 =	vshll.u32 v3, $0x2  }
0xdf: {  	v3 =	vand.u32 $0x7, v3;
	v4 =	vand.u32 $0xFFFFFFE0, v28  }
0xe0: {  	v3 =	vor.u32 v3, v4  }
0xe1: {  	v4 =	vperm.xlane v3, v0;
	_ =	sdelay $0x1  }
0xe2: {  	v4 =	vadd.s32 v1, v4;
	_ =	sdelay $0x1  }
0xe3: {  	v3 =	vperm.xlane v3, v2;
	_ =	sdelay $0x1  }
0xe4: {  	v3 =	vadd.s32 v1, v3  }
0xe5: {  	[hbm4b:s5+s2] =	stream.indirect_vreg.scatter [tilespmem:s22], [sflag:$0x2], $0x80, v4, vm0, $0xb8;
	[tilespmem:$0x16800] =	vst v63  }
0xe6: {  	_ = 	snop  }
0xe7: {  	[hbm4b:s10+s2] =	stream.indirect_vreg.scatter [tilespmem:s23], [sflag:$0x2], $0x80, v4, vm0, $0xb8;
	[tilespmem:$0x16800] =	vst v63  }
0xe8: {  	_ = 	snop  }
0xe9: {  	[hbm4b:s5+s2] =	stream.indirect_vreg.scatter [tilespmem:s24], [sflag:$0x2], $0x80, v3, vm0, $0xb8;
	[tilespmem:$0x16800] =	vst v63  }
0xea: {  	_ = 	snop  }
0xeb: {  	[hbm4b:s10+s2] =	stream.indirect_vreg.scatter [tilespmem:s25], [sflag:$0x2], $0x80, v3, vm0, $0xb8;
	[tilespmem:$0x16800] =	vst v63  }
0xec: {  	v3 =	vld [tilespmem:s29+$0x12880];
	_ =	sdelay $0x4  }
0xed: {  	v29 =	vshll.u32 v3, $0x2  }
0xee: {  	v3 =	vand.u32 $0x7, v3;
	v4 =	vand.u32 $0xFFFFFFE0, v29  }
0xef: {  	v3 =	vor.u32 v3, v4  }
0xf0: {  	v4 =	vperm.xlane v3, v0;
	_ =	sdelay $0x1  }
0xf1: {  	v4 =	vadd.s32 v1, v4;
	_ =	sdelay $0x1  }
0xf2: {  	v3 =	vperm.xlane v3, v2;
	_ =	sdelay $0x1  }
0xf3: {  	v3 =	vadd.s32 v1, v3  }
0xf4: {  	[hbm4b:s5+s2] =	stream.indirect_vreg.scatter [tilespmem:s2], [sflag:$0x2], $0x80, v4, vm0, $0xb8;
	[tilespmem:$0x16800] =	vst v63  }
0xf5: {  	_ = 	snop  }
0xf6: {  	[hbm4b:s10+s2] =	stream.indirect_vreg.scatter [tilespmem:s0], [sflag:$0x2], $0x80, v4, vm0, $0xb8;
	[tilespmem:$0x16800] =	vst v63  }
0xf7: {  	_ = 	snop  }
0xf8: {  	[hbm4b:s5+s2] =	stream.indirect_vreg.scatter [tilespmem:s1], [sflag:$0x2], $0x80, v3, vm0, $0xb8;
	[tilespmem:$0x16800] =	vst v63  }
0xf9: {  	_ = 	snop  }
0xfa: {  	[hbm4b:s10+s2] =	stream.indirect_vreg.scatter [tilespmem:s4], [sflag:$0x2], $0x80, v3, vm0, $0xb8;
	[tilespmem:$0x16800] =	vst v63  }
0xfb: {  	v3 =	vld [tilespmem:s29+$0x12890];
	_ =	sdelay $0x4  }
0xfc: {  	v30 =	vshll.u32 v3, $0x2  }
0xfd: {  	v3 =	vand.u32 $0x7, v3;
	v4 =	vand.u32 $0xFFFFFFE0, v30  }
0xfe: {  	v3 =	vor.u32 v3, v4  }
0xff: {  	v4 =	vperm.xlane v3, v0;
	_ =	sdelay $0x1  }
0x100: {  	v4 =	vadd.s32 v1, v4;
	_ =	sdelay $0x1  }
0x101: {  	v3 =	vperm.xlane v3, v2;
	_ =	sdelay $0x1  }
0x102: {  	v3 =	vadd.s32 v1, v3  }
0x103: {  	[hbm4b:s5+s2] =	stream.indirect_vreg.scatter [tilespmem:s6], [sflag:$0x2], $0x80, v4, vm0, $0xb8;
	[tilespmem:$0x16800] =	vst v63  }
0x104: {  	_ = 	snop  }
0x105: {  	[hbm4b:s10+s2] =	stream.indirect_vreg.scatter [tilespmem:s7], [sflag:$0x2], $0x80, v4, vm0, $0xb8;
	[tilespmem:$0x16800] =	vst v63  }
0x106: {  	_ = 	snop  }
0x107: {  	[hbm4b:s5+s2] =	stream.indirect_vreg.scatter [tilespmem:s8], [sflag:$0x2], $0x80, v3, vm0, $0xb8;
	[tilespmem:$0x16800] =	vst v63  }
0x108: {  	_ = 	snop  }
0x109: {  	[hbm4b:s10+s2] =	stream.indirect_vreg.scatter [tilespmem:s11], [sflag:$0x2], $0x80, v3, vm0, $0xb8;
	[tilespmem:$0x16800] =	vst v63  }
0x10a: {  	v3 =	vld [tilespmem:s29+$0x128A0];
	_ =	sdelay $0x4  }
0x10b: {  	v31 =	vshll.u32 v3, $0x2  }
0x10c: {  	v3 =	vand.u32 $0x7, v3;
	v4 =	vand.u32 $0xFFFFFFE0, v31  }
0x10d: {  	v3 =	vor.u32 v3, v4  }
0x10e: {  	v4 =	vperm.xlane v3, v0;
	_ =	sdelay $0x1  }
0x10f: {  	v4 =	vadd.s32 v1, v4;
	_ =	sdelay $0x1  }
0x110: {  	v3 =	vperm.xlane v3, v2;
	_ =	sdelay $0x1  }
0x111: {  	v3 =	vadd.s32 v1, v3  }
0x112: {  	[hbm4b:s5+s2] =	stream.indirect_vreg.scatter [tilespmem:s12], [sflag:$0x2], $0x80, v4, vm0, $0xb8;
	[tilespmem:$0x16800] =	vst v63  }
0x113: {  	_ = 	snop  }
0x114: {  	[hbm4b:s10+s2] =	stream.indirect_vreg.scatter [tilespmem:s13], [sflag:$0x2], $0x80, v4, vm0, $0xb8;
	[tilespmem:$0x16800] =	vst v63  }
0x115: {  	_ = 	snop  }
0x116: {  	[hbm4b:s5+s2] =	stream.indirect_vreg.scatter [tilespmem:s14], [sflag:$0x2], $0x80, v3, vm0, $0xb8;
	[tilespmem:$0x16800] =	vst v63  }
0x117: {  	_ = 	snop  }
0x118: {  	[hbm4b:s10+s2] =	stream.indirect_vreg.scatter [tilespmem:s15], [sflag:$0x2], $0x80, v3, vm0, $0xb8;
	[tilespmem:$0x16800] =	vst v63  }
0x119: {  	v3 =	vld [tilespmem:s29+$0x128B0];
	_ =	sdelay $0x4  }
0x11a: {  	v32 =	vshll.u32 v3, $0x2  }
0x11b: {  	v3 =	vand.u32 $0x7, v3;
	v4 =	vand.u32 $0xFFFFFFE0, v32  }
0x11c: {  	v3 =	vor.u32 v3, v4  }
0x11d: {  	v4 =	vperm.xlane v3, v0;
	_ =	sdelay $0x1  }
0x11e: {  	v4 =	vadd.s32 v1, v4;
	_ =	sdelay $0x1  }
0x11f: {  	v3 =	vperm.xlane v3, v2;
	_ =	sdelay $0x1  }
0x120: {  	v3 =	vadd.s32 v1, v3  }
0x121: {  	[hbm4b:s5+s2] =	stream.indirect_vreg.scatter [tilespmem:s16], [sflag:$0x2], $0x80, v4, vm0, $0xb8;
	[tilespmem:$0x16800] =	vst v63  }
0x122: {  	_ = 	snop  }
0x123: {  	[hbm4b:s10+s2] =	stream.indirect_vreg.scatter [tilespmem:s17], [sflag:$0x2], $0x80, v4, vm0, $0xb8;
	[tilespmem:$0x16800] =	vst v63  }
0x124: {  	_ = 	snop  }
0x125: {  	[hbm4b:s5+s2] =	stream.indirect_vreg.scatter [tilespmem:s18], [sflag:$0x2], $0x80, v3, vm0, $0xb8;
	[tilespmem:$0x16800] =	vst v63  }
0x126: {  	_ = 	snop  }
0x127: {  	[hbm4b:s10+s2] =	stream.indirect_vreg.scatter [tilespmem:s21], [sflag:$0x2], $0x80, v3, vm0, $0xb8;
	[tilespmem:$0x16800] =	vst v63  }
0x128: {  	v3 =	vld [tilespmem:s29+$0x128C0];
	_ =	sdelay $0x4  }
0x129: {  	v33 =	vshll.u32 v3, $0x2  }
0x12a: {  	v3 =	vand.u32 $0x7, v3;
	v4 =	vand.u32 $0xFFFFFFE0, v33  }
0x12b: {  	v3 =	vor.u32 v3, v4  }
0x12c: {  	v4 =	vperm.xlane v3, v0;
	_ =	sdelay $0x1  }
0x12d: {  	v4 =	vadd.s32 v1, v4;
	_ =	sdelay $0x1  }
0x12e: {  	v3 =	vperm.xlane v3, v2;
	_ =	sdelay $0x1  }
0x12f: {  	v3 =	vadd.s32 v1, v3  }
0x130: {  	[hbm4b:s5+s2] =	stream.indirect_vreg.scatter [tilespmem:s22], [sflag:$0x2], $0x80, v4, vm0, $0xb8;
	[tilespmem:$0x16800] =	vst v63  }
0x131: {  	_ = 	snop  }
0x132: {  	[hbm4b:s10+s2] =	stream.indirect_vreg.scatter [tilespmem:s23], [sflag:$0x2], $0x80, v4, vm0, $0xb8;
	[tilespmem:$0x16800] =	vst v63  }
0x133: {  	_ = 	snop  }
0x134: {  	[hbm4b:s5+s2] =	stream.indirect_vreg.scatter [tilespmem:s24], [sflag:$0x2], $0x80, v3, vm0, $0xb8;
	[tilespmem:$0x16800] =	vst v63  }
0x135: {  	_ = 	snop  }
0x136: {  	[hbm4b:s10+s2] =	stream.indirect_vreg.scatter [tilespmem:s25], [sflag:$0x2], $0x80, v3, vm0, $0xb8;
	[tilespmem:$0x16800] =	vst v63  }
0x137: {  	v3 =	vld [tilespmem:s29+$0x12900];
	_ =	sdelay $0x4  }
0x138: {  	v34 =	vshll.u32 v3, $0x2  }
0x139: {  	v3 =	vand.u32 $0x7, v3;
	v4 =	vand.u32 $0xFFFFFFE0, v34  }
0x13a: {  	v3 =	vor.u32 v3, v4  }
0x13b: {  	v4 =	vperm.xlane v3, v0;
	_ =	sdelay $0x1  }
0x13c: {  	v4 =	vadd.s32 v1, v4;
	_ =	sdelay $0x1  }
0x13d: {  	v3 =	vperm.xlane v3, v2;
	_ =	sdelay $0x1  }
0x13e: {  	v3 =	vadd.s32 v1, v3  }
0x13f: {  	[hbm4b:s5+s2] =	stream.indirect_vreg.scatter [tilespmem:s2], [sflag:$0x2], $0x80, v4, vm0, $0xb8;
	[tilespmem:$0x16800] =	vst v63  }
0x140: {  	_ = 	snop  }
0x141: {  	[hbm4b:s10+s2] =	stream.indirect_vreg.scatter [tilespmem:s0], [sflag:$0x2], $0x80, v4, vm0, $0xb8;
	[tilespmem:$0x16800] =	vst v63  }
0x142: {  	_ = 	snop  }
0x143: {  	[hbm4b:s5+s2] =	stream.indirect_vreg.scatter [tilespmem:s1], [sflag:$0x2], $0x80, v3, vm0, $0xb8;
	[tilespmem:$0x16800] =	vst v63  }
0x144: {  	_ = 	snop  }
0x145: {  	[hbm4b:s10+s2] =	stream.indirect_vreg.scatter [tilespmem:s4], [sflag:$0x2], $0x80, v3, vm0, $0xb8;
	[tilespmem:$0x16800] =	vst v63  }
0x146: {  	v3 =	vld [tilespmem:s29+$0x12910];
	_ =	sdelay $0x4  }
0x147: {  	v35 =	vshll.u32 v3, $0x2  }
0x148: {  	v3 =	vand.u32 $0x7, v3;
	v4 =	vand.u32 $0xFFFFFFE0, v35  }
0x149: {  	v3 =	vor.u32 v3, v4  }
0x14a: {  	v4 =	vperm.xlane v3, v0;
	_ =	sdelay $0x1  }
0x14b: {  	v4 =	vadd.s32 v1, v4;
	_ =	sdelay $0x1  }
0x14c: {  	v3 =	vperm.xlane v3, v2;
	_ =	sdelay $0x1  }
0x14d: {  	v3 =	vadd.s32 v1, v3  }
0x14e: {  	[hbm4b:s5+s2] =	stream.indirect_vreg.scatter [tilespmem:s6], [sflag:$0x2], $0x80, v4, vm0, $0xb8;
	[tilespmem:$0x16800] =	vst v63  }
0x14f: {  	_ = 	snop  }
0x150: {  	[hbm4b:s10+s2] =	stream.indirect_vreg.scatter [tilespmem:s7], [sflag:$0x2], $0x80, v4, vm0, $0xb8;
	[tilespmem:$0x16800] =	vst v63  }
0x151: {  	_ = 	snop  }
0x152: {  	[hbm4b:s5+s2] =	stream.indirect_vreg.scatter [tilespmem:s8], [sflag:$0x2], $0x80, v3, vm0, $0xb8;
	[tilespmem:$0x16800] =	vst v63  }
0x153: {  	_ = 	snop  }
0x154: {  	[hbm4b:s10+s2] =	stream.indirect_vreg.scatter [tilespmem:s11], [sflag:$0x2], $0x80, v3, vm0, $0xb8;
	[tilespmem:$0x16800] =	vst v63  }
0x155: {  	v3 =	vld [tilespmem:s29+$0x12920];
	_ =	sdelay $0x4  }
0x156: {  	v36 =	vshll.u32 v3, $0x2  }
0x157: {  	v3 =	vand.u32 $0x7, v3;
	v4 =	vand.u32 $0xFFFFFFE0, v36  }
0x158: {  	v3 =	vor.u32 v3, v4  }
0x159: {  	v4 =	vperm.xlane v3, v0;
	_ =	sdelay $0x1  }
0x15a: {  	v4 =	vadd.s32 v1, v4;
	_ =	sdelay $0x1  }
0x15b: {  	v3 =	vperm.xlane v3, v2;
	_ =	sdelay $0x1  }
0x15c: {  	v3 =	vadd.s32 v1, v3  }
0x15d: {  	[hbm4b:s5+s2] =	stream.indirect_vreg.scatter [tilespmem:s12], [sflag:$0x2], $0x80, v4, vm0, $0xb8;
	[tilespmem:$0x16800] =	vst v63  }
0x15e: {  	_ = 	snop  }
0x15f: {  	[hbm4b:s10+s2] =	stream.indirect_vreg.scatter [tilespmem:s13], [sflag:$0x2], $0x80, v4, vm0, $0xb8;
	[tilespmem:$0x16800] =	vst v63  }
0x160: {  	_ = 	snop  }
0x161: {  	[hbm4b:s5+s2] =	stream.indirect_vreg.scatter [tilespmem:s14], [sflag:$0x2], $0x80, v3, vm0, $0xb8;
	[tilespmem:$0x16800] =	vst v63  }
0x162: {  	_ = 	snop  }
0x163: {  	[hbm4b:s10+s2] =	stream.indirect_vreg.scatter [tilespmem:s15], [sflag:$0x2], $0x80, v3, vm0, $0xb8;
	[tilespmem:$0x16800] =	vst v63  }
0x164: {  	v3 =	vld [tilespmem:s29+$0x12930];
	_ =	sdelay $0x4  }
0x165: {  	v37 =	vshll.u32 v3, $0x2  }
0x166: {  	v3 =	vand.u32 $0x7, v3;
	v4 =	vand.u32 $0xFFFFFFE0, v37  }
0x167: {  	v3 =	vor.u32 v3, v4  }
0x168: {  	v4 =	vperm.xlane v3, v0;
	_ =	sdelay $0x1  }
0x169: {  	v4 =	vadd.s32 v1, v4;
	_ =	sdelay $0x1  }
0x16a: {  	v3 =	vperm.xlane v3, v2;
	_ =	sdelay $0x1  }
0x16b: {  	v3 =	vadd.s32 v1, v3  }
0x16c: {  	[hbm4b:s5+s2] =	stream.indirect_vreg.scatter [tilespmem:s16], [sflag:$0x2], $0x80, v4, vm0, $0xb8;
	[tilespmem:$0x16800] =	vst v63  }
0x16d: {  	_ = 	snop  }
0x16e: {  	[hbm4b:s10+s2] =	stream.indirect_vreg.scatter [tilespmem:s17], [sflag:$0x2], $0x80, v4, vm0, $0xb8;
	[tilespmem:$0x16800] =	vst v63  }
0x16f: {  	_ = 	snop  }
0x170: {  	[hbm4b:s5+s2] =	stream.indirect_vreg.scatter [tilespmem:s18], [sflag:$0x2], $0x80, v3, vm0, $0xb8;
	[tilespmem:$0x16800] =	vst v63  }
0x171: {  	_ = 	snop  }
0x172: {  	[hbm4b:s10+s2] =	stream.indirect_vreg.scatter [tilespmem:s21], [sflag:$0x2], $0x80, v3, vm0, $0xb8;
	[tilespmem:$0x16800] =	vst v63  }
0x173: {  	v3 =	vld [tilespmem:s29+$0x12940];
	_ =	sdelay $0x4  }
0x174: {  	v38 =	vshll.u32 v3, $0x2  }
0x175: {  	v3 =	vand.u32 $0x7, v3;
	v4 =	vand.u32 $0xFFFFFFE0, v38  }
0x176: {  	v3 =	vor.u32 v3, v4  }
0x177: {  	v4 =	vperm.xlane v3, v0;
	_ =	sdelay $0x1  }
0x178: {  	v4 =	vadd.s32 v1, v4;
	_ =	sdelay $0x1  }
0x179: {  	v3 =	vperm.xlane v3, v2;
	_ =	sdelay $0x1  }
0x17a: {  	v3 =	vadd.s32 v1, v3  }
0x17b: {  	[hbm4b:s5+s2] =	stream.indirect_vreg.scatter [tilespmem:s22], [sflag:$0x2], $0x80, v4, vm0, $0xb8;
	[tilespmem:$0x16800] =	vst v63  }
0x17c: {  	_ = 	snop  }
0x17d: {  	[hbm4b:s10+s2] =	stream.indirect_vreg.scatter [tilespmem:s23], [sflag:$0x2], $0x80, v4, vm0, $0xb8;
	[tilespmem:$0x16800] =	vst v63  }
0x17e: {  	_ = 	snop  }
0x17f: {  	[hbm4b:s5+s2] =	stream.indirect_vreg.scatter [tilespmem:s24], [sflag:$0x2], $0x80, v3, vm0, $0xb8;
	[tilespmem:$0x16800] =	vst v63  }
0x180: {  	_ = 	snop  }
0x181: {  	[hbm4b:s10+s2] =	stream.indirect_vreg.scatter [tilespmem:s25], [sflag:$0x2], $0x80, v3, vm0, $0xb8;
	[tilespmem:$0x16800] =	vst v63  }
0x182: {  	v3 =	vld [tilespmem:s29+$0x12980];
	_ =	sdelay $0x4  }
0x183: {  	v39 =	vshll.u32 v3, $0x2  }
0x184: {  	v3 =	vand.u32 $0x7, v3;
	v4 =	vand.u32 $0xFFFFFFE0, v39  }
0x185: {  	v3 =	vor.u32 v3, v4  }
0x186: {  	v4 =	vperm.xlane v3, v0;
	_ =	sdelay $0x1  }
0x187: {  	v4 =	vadd.s32 v1, v4;
	_ =	sdelay $0x1  }
0x188: {  	v3 =	vperm.xlane v3, v2;
	_ =	sdelay $0x1  }
0x189: {  	v3 =	vadd.s32 v1, v3  }
0x18a: {  	[hbm4b:s5+s2] =	stream.indirect_vreg.scatter [tilespmem:s2], [sflag:$0x2], $0x80, v4, vm0, $0xb8;
	[tilespmem:$0x16800] =	vst v63  }
0x18b: {  	_ = 	snop  }
0x18c: {  	[hbm4b:s10+s2] =	stream.indirect_vreg.scatter [tilespmem:s0], [sflag:$0x2], $0x80, v4, vm0, $0xb8;
	[tilespmem:$0x16800] =	vst v63  }
0x18d: {  	_ = 	snop  }
0x18e: {  	[hbm4b:s5+s2] =	stream.indirect_vreg.scatter [tilespmem:s1], [sflag:$0x2], $0x80, v3, vm0, $0xb8;
	[tilespmem:$0x16800] =	vst v63  }
0x18f: {  	_ = 	snop  }
0x190: {  	[hbm4b:s10+s2] =	stream.indirect_vreg.scatter [tilespmem:s4], [sflag:$0x2], $0x80, v3, vm0, $0xb8;
	[tilespmem:$0x16800] =	vst v63  }
0x191: {  	v3 =	vld [tilespmem:s29+$0x12990];
	_ =	sdelay $0x4  }
0x192: {  	v40 =	vshll.u32 v3, $0x2  }
0x193: {  	v3 =	vand.u32 $0x7, v3;
	v4 =	vand.u32 $0xFFFFFFE0, v40  }
0x194: {  	v3 =	vor.u32 v3, v4  }
0x195: {  	v4 =	vperm.xlane v3, v0;
	_ =	sdelay $0x1  }
0x196: {  	v4 =	vadd.s32 v1, v4;
	_ =	sdelay $0x1  }
0x197: {  	v3 =	vperm.xlane v3, v2;
	_ =	sdelay $0x1  }
0x198: {  	v3 =	vadd.s32 v1, v3  }
0x199: {  	[hbm4b:s5+s2] =	stream.indirect_vreg.scatter [tilespmem:s6], [sflag:$0x2], $0x80, v4, vm0, $0xb8;
	[tilespmem:$0x16800] =	vst v63  }
0x19a: {  	_ = 	snop  }
0x19b: {  	[hbm4b:s10+s2] =	stream.indirect_vreg.scatter [tilespmem:s7], [sflag:$0x2], $0x80, v4, vm0, $0xb8;
	[tilespmem:$0x16800] =	vst v63  }
0x19c: {  	_ = 	snop  }
0x19d: {  	[hbm4b:s5+s2] =	stream.indirect_vreg.scatter [tilespmem:s8], [sflag:$0x2], $0x80, v3, vm0, $0xb8;
	[tilespmem:$0x16800] =	vst v63  }
0x19e: {  	_ = 	snop  }
0x19f: {  	[hbm4b:s10+s2] =	stream.indirect_vreg.scatter [tilespmem:s11], [sflag:$0x2], $0x80, v3, vm0, $0xb8;
	[tilespmem:$0x16800] =	vst v63  }
0x1a0: {  	v3 =	vld [tilespmem:s29+$0x129A0];
	_ =	sdelay $0x4  }
0x1a1: {  	v41 =	vshll.u32 v3, $0x2  }
0x1a2: {  	v3 =	vand.u32 $0x7, v3;
	v4 =	vand.u32 $0xFFFFFFE0, v41  }
0x1a3: {  	v3 =	vor.u32 v3, v4  }
0x1a4: {  	v4 =	vperm.xlane v3, v0;
	_ =	sdelay $0x1  }
0x1a5: {  	v4 =	vadd.s32 v1, v4;
	_ =	sdelay $0x1  }
0x1a6: {  	v3 =	vperm.xlane v3, v2;
	_ =	sdelay $0x1  }
0x1a7: {  	v3 =	vadd.s32 v1, v3  }
0x1a8: {  	[hbm4b:s5+s2] =	stream.indirect_vreg.scatter [tilespmem:s12], [sflag:$0x2], $0x80, v4, vm0, $0xb8;
	[tilespmem:$0x16800] =	vst v63  }
0x1a9: {  	_ = 	snop  }
0x1aa: {  	[hbm4b:s10+s2] =	stream.indirect_vreg.scatter [tilespmem:s13], [sflag:$0x2], $0x80, v4, vm0, $0xb8;
	[tilespmem:$0x16800] =	vst v63  }
0x1ab: {  	_ = 	snop  }
0x1ac: {  	[hbm4b:s5+s2] =	stream.indirect_vreg.scatter [tilespmem:s14], [sflag:$0x2], $0x80, v3, vm0, $0xb8;
	[tilespmem:$0x16800] =	vst v63  }
0x1ad: {  	_ = 	snop  }
0x1ae: {  	[hbm4b:s10+s2] =	stream.indirect_vreg.scatter [tilespmem:s15], [sflag:$0x2], $0x80, v3, vm0, $0xb8;
	[tilespmem:$0x16800] =	vst v63  }
0x1af: {  	v3 =	vld [tilespmem:s29+$0x129B0];
	_ =	sdelay $0x4  }
0x1b0: {  	v42 =	vshll.u32 v3, $0x2  }
0x1b1: {  	v3 =	vand.u32 $0x7, v3;
	v4 =	vand.u32 $0xFFFFFFE0, v42  }
0x1b2: {  	v3 =	vor.u32 v3, v4  }
0x1b3: {  	v4 =	vperm.xlane v3, v0;
	_ =	sdelay $0x1  }
0x1b4: {  	v4 =	vadd.s32 v1, v4;
	_ =	sdelay $0x1  }
0x1b5: {  	v3 =	vperm.xlane v3, v2;
	_ =	sdelay $0x1  }
0x1b6: {  	v3 =	vadd.s32 v1, v3  }
0x1b7: {  	[hbm4b:s5+s2] =	stream.indirect_vreg.scatter [tilespmem:s16], [sflag:$0x2], $0x80, v4, vm0, $0xb8;
	[tilespmem:$0x16800] =	vst v63  }
0x1b8: {  	_ = 	snop  }
0x1b9: {  	[hbm4b:s10+s2] =	stream.indirect_vreg.scatter [tilespmem:s17], [sflag:$0x2], $0x80, v4, vm0, $0xb8;
	[tilespmem:$0x16800] =	vst v63  }
0x1ba: {  	_ = 	snop  }
0x1bb: {  	[hbm4b:s5+s2] =	stream.indirect_vreg.scatter [tilespmem:s18], [sflag:$0x2], $0x80, v3, vm0, $0xb8;
	[tilespmem:$0x16800] =	vst v63  }
0x1bc: {  	_ = 	snop  }
0x1bd: {  	[hbm4b:s10+s2] =	stream.indirect_vreg.scatter [tilespmem:s21], [sflag:$0x2], $0x80, v3, vm0, $0xb8;
	[tilespmem:$0x16800] =	vst v63  }
0x1be: {  	v3 =	vld [tilespmem:s29+$0x129C0];
	_ =	sdelay $0x4  }
0x1bf: {  	v43 =	vshll.u32 v3, $0x2  }
0x1c0: {  	v3 =	vand.u32 $0x7, v3;
	v4 =	vand.u32 $0xFFFFFFE0, v43  }
0x1c1: {  	v3 =	vor.u32 v3, v4  }
0x1c2: {  	v4 =	vperm.xlane v3, v0;
	_ =	sdelay $0x1  }
0x1c3: {  	v4 =	vadd.s32 v1, v4;
	_ =	sdelay $0x1  }
0x1c4: {  	v3 =	vperm.xlane v3, v2;
	_ =	sdelay $0x1  }
0x1c5: {  	v3 =	vadd.s32 v1, v3  }
0x1c6: {  	[hbm4b:s5+s2] =	stream.indirect_vreg.scatter [tilespmem:s22], [sflag:$0x2], $0x80, v4, vm0, $0xb8;
	[tilespmem:$0x16800] =	vst v63  }
0x1c7: {  	_ = 	snop  }
0x1c8: {  	[hbm4b:s10+s2] =	stream.indirect_vreg.scatter [tilespmem:s23], [sflag:$0x2], $0x80, v4, vm0, $0xb8;
	[tilespmem:$0x16800] =	vst v63  }
0x1c9: {  	_ = 	snop  }
0x1ca: {  	[hbm4b:s5+s2] =	stream.indirect_vreg.scatter [tilespmem:s24], [sflag:$0x2], $0x80, v3, vm0, $0xb8;
	[tilespmem:$0x16800] =	vst v63  }
0x1cb: {  	_ = 	snop  }
0x1cc: {  	[hbm4b:s10+s2] =	stream.indirect_vreg.scatter [tilespmem:s25], [sflag:$0x2], $0x80, v3, vm0, $0xb8;
	[tilespmem:$0x16800] =	vst v63  }
0x1cd: {  	v3 =	vld [tilespmem:s29+$0x12A00];
	_ =	sdelay $0x4  }
0x1ce: {  	v44 =	vshll.u32 v3, $0x2  }
0x1cf: {  	v3 =	vand.u32 $0x7, v3;
	v4 =	vand.u32 $0xFFFFFFE0, v44  }
0x1d0: {  	v3 =	vor.u32 v3, v4  }
0x1d1: {  	v4 =	vperm.xlane v3, v0;
	_ =	sdelay $0x1  }
0x1d2: {  	v4 =	vadd.s32 v1, v4;
	_ =	sdelay $0x1  }
0x1d3: {  	v3 =	vperm.xlane v3, v2;
	_ =	sdelay $0x1  }
0x1d4: {  	v3 =	vadd.s32 v1, v3  }
0x1d5: {  	[hbm4b:s5+s2] =	stream.indirect_vreg.scatter [tilespmem:s2], [sflag:$0x2], $0x80, v4, vm0, $0xb8;
	[tilespmem:$0x16800] =	vst v63  }
0x1d6: {  	_ = 	snop  }
0x1d7: {  	[hbm4b:s10+s2] =	stream.indirect_vreg.scatter [tilespmem:s0], [sflag:$0x2], $0x80, v4, vm0, $0xb8;
	[tilespmem:$0x16800] =	vst v63  }
0x1d8: {  	_ = 	snop  }
0x1d9: {  	[hbm4b:s5+s2] =	stream.indirect_vreg.scatter [tilespmem:s1], [sflag:$0x2], $0x80, v3, vm0, $0xb8;
	[tilespmem:$0x16800] =	vst v63  }
0x1da: {  	_ = 	snop  }
0x1db: {  	[hbm4b:s10+s2] =	stream.indirect_vreg.scatter [tilespmem:s4], [sflag:$0x2], $0x80, v3, vm0, $0xb8;
	[tilespmem:$0x16800] =	vst v63  }
0x1dc: {  	v3 =	vld [tilespmem:s29+$0x12A10];
	_ =	sdelay $0x4  }
0x1dd: {  	v45 =	vshll.u32 v3, $0x2  }
0x1de: {  	v3 =	vand.u32 $0x7, v3;
	v4 =	vand.u32 $0xFFFFFFE0, v45  }
0x1df: {  	v3 =	vor.u32 v3, v4  }
0x1e0: {  	v4 =	vperm.xlane v3, v0;
	_ =	sdelay $0x1  }
0x1e1: {  	v4 =	vadd.s32 v1, v4;
	_ =	sdelay $0x1  }
0x1e2: {  	v3 =	vperm.xlane v3, v2;
	_ =	sdelay $0x1  }
0x1e3: {  	v3 =	vadd.s32 v1, v3  }
0x1e4: {  	[hbm4b:s5+s2] =	stream.indirect_vreg.scatter [tilespmem:s6], [sflag:$0x2], $0x80, v4, vm0, $0xb8;
	[tilespmem:$0x16800] =	vst v63  }
0x1e5: {  	_ = 	snop  }
0x1e6: {  	[hbm4b:s10+s2] =	stream.indirect_vreg.scatter [tilespmem:s7], [sflag:$0x2], $0x80, v4, vm0, $0xb8;
	[tilespmem:$0x16800] =	vst v63  }
0x1e7: {  	_ = 	snop  }
0x1e8: {  	[hbm4b:s5+s2] =	stream.indirect_vreg.scatter [tilespmem:s8], [sflag:$0x2], $0x80, v3, vm0, $0xb8;
	[tilespmem:$0x16800] =	vst v63  }
0x1e9: {  	_ = 	snop  }
0x1ea: {  	[hbm4b:s10+s2] =	stream.indirect_vreg.scatter [tilespmem:s11], [sflag:$0x2], $0x80, v3, vm0, $0xb8;
	[tilespmem:$0x16800] =	vst v63  }
0x1eb: {  	v3 =	vld [tilespmem:s29+$0x12A20];
	_ =	sdelay $0x4  }
0x1ec: {  	v46 =	vshll.u32 v3, $0x2  }
0x1ed: {  	v3 =	vand.u32 $0x7, v3;
	v4 =	vand.u32 $0xFFFFFFE0, v46  }
0x1ee: {  	v3 =	vor.u32 v3, v4  }
0x1ef: {  	v4 =	vperm.xlane v3, v0;
	_ =	sdelay $0x1  }
0x1f0: {  	v4 =	vadd.s32 v1, v4;
	_ =	sdelay $0x1  }
0x1f1: {  	v3 =	vperm.xlane v3, v2;
	_ =	sdelay $0x1  }
0x1f2: {  	v3 =	vadd.s32 v1, v3  }
0x1f3: {  	[hbm4b:s5+s2] =	stream.indirect_vreg.scatter [tilespmem:s12], [sflag:$0x2], $0x80, v4, vm0, $0xb8;
	[tilespmem:$0x16800] =	vst v63  }
0x1f4: {  	_ = 	snop  }
0x1f5: {  	[hbm4b:s10+s2] =	stream.indirect_vreg.scatter [tilespmem:s13], [sflag:$0x2], $0x80, v4, vm0, $0xb8;
	[tilespmem:$0x16800] =	vst v63  }
0x1f6: {  	_ = 	snop  }
0x1f7: {  	[hbm4b:s5+s2] =	stream.indirect_vreg.scatter [tilespmem:s14], [sflag:$0x2], $0x80, v3, vm0, $0xb8;
	[tilespmem:$0x16800] =	vst v63  }
0x1f8: {  	_ = 	snop  }
0x1f9: {  	[hbm4b:s10+s2] =	stream.indirect_vreg.scatter [tilespmem:s15], [sflag:$0x2], $0x80, v3, vm0, $0xb8;
	[tilespmem:$0x16800] =	vst v63  }
0x1fa: {  	v3 =	vld [tilespmem:s29+$0x12A30];
	_ =	sdelay $0x4  }
0x1fb: {  	v47 =	vshll.u32 v3, $0x2  }
0x1fc: {  	v3 =	vand.u32 $0x7, v3;
	v4 =	vand.u32 $0xFFFFFFE0, v47  }
0x1fd: {  	v3 =	vor.u32 v3, v4  }
0x1fe: {  	v4 =	vperm.xlane v3, v0;
	_ =	sdelay $0x1  }
0x1ff: {  	v4 =	vadd.s32 v1, v4;
	_ =	sdelay $0x1  }
0x200: {  	v3 =	vperm.xlane v3, v2;
	_ =	sdelay $0x1  }
0x201: {  	v3 =	vadd.s32 v1, v3  }
0x202: {  	[hbm4b:s5+s2] =	stream.indirect_vreg.scatter [tilespmem:s16], [sflag:$0x2], $0x80, v4, vm0, $0xb8;
	[tilespmem:$0x16800] =	vst v63  }
0x203: {  	_ = 	snop  }
0x204: {  	[hbm4b:s10+s2] =	stream.indirect_vreg.scatter [tilespmem:s17], [sflag:$0x2], $0x80, v4, vm0, $0xb8;
	[tilespmem:$0x16800] =	vst v63  }
0x205: {  	_ = 	snop  }
0x206: {  	[hbm4b:s5+s2] =	stream.indirect_vreg.scatter [tilespmem:s18], [sflag:$0x2], $0x80, v3, vm0, $0xb8;
	[tilespmem:$0x16800] =	vst v63  }
0x207: {  	_ = 	snop  }
0x208: {  	[hbm4b:s10+s2] =	stream.indirect_vreg.scatter [tilespmem:s21], [sflag:$0x2], $0x80, v3, vm0, $0xb8;
	[tilespmem:$0x16800] =	vst v63  }
0x209: {  	v3 =	vld [tilespmem:s29+$0x12A40];
	_ =	sdelay $0x4  }
0x20a: {  	v48 =	vshll.u32 v3, $0x2  }
0x20b: {  	v3 =	vand.u32 $0x7, v3;
	v4 =	vand.u32 $0xFFFFFFE0, v48  }
0x20c: {  	v3 =	vor.u32 v3, v4  }
0x20d: {  	v4 =	vperm.xlane v3, v0;
	_ =	sdelay $0x1  }
0x20e: {  	v4 =	vadd.s32 v1, v4;
	_ =	sdelay $0x1  }
0x20f: {  	v3 =	vperm.xlane v3, v2;
	_ =	sdelay $0x1  }
0x210: {  	v3 =	vadd.s32 v1, v3  }
0x211: {  	[hbm4b:s5+s2] =	stream.indirect_vreg.scatter [tilespmem:s22], [sflag:$0x2], $0x80, v4, vm0, $0xb8;
	[tilespmem:$0x16800] =	vst v63  }
0x212: {  	_ = 	snop  }
0x213: {  	[hbm4b:s10+s2] =	stream.indirect_vreg.scatter [tilespmem:s23], [sflag:$0x2], $0x80, v4, vm0, $0xb8;
	[tilespmem:$0x16800] =	vst v63  }
0x214: {  	_ = 	snop  }
0x215: {  	[hbm4b:s5+s2] =	stream.indirect_vreg.scatter [tilespmem:s24], [sflag:$0x2], $0x80, v3, vm0, $0xb8;
	[tilespmem:$0x16800] =	vst v63  }
0x216: {  	_ = 	snop  }
0x217: {  	[hbm4b:s10+s2] =	stream.indirect_vreg.scatter [tilespmem:s25], [sflag:$0x2], $0x80, v3, vm0, $0xb8;
	[tilespmem:$0x16800] =	vst v63  }
0x218: {  	v3 =	vld [tilespmem:s29+$0x12A80];
	_ =	sdelay $0x4  }
0x219: {  	v49 =	vshll.u32 v3, $0x2  }
0x21a: {  	v3 =	vand.u32 $0x7, v3;
	v4 =	vand.u32 $0xFFFFFFE0, v49  }
0x21b: {  	v3 =	vor.u32 v3, v4  }
0x21c: {  	v4 =	vperm.xlane v3, v0;
	_ =	sdelay $0x1  }
0x21d: {  	v4 =	vadd.s32 v1, v4;
	_ =	sdelay $0x1  }
0x21e: {  	v3 =	vperm.xlane v3, v2;
	_ =	sdelay $0x1  }
0x21f: {  	v3 =	vadd.s32 v1, v3  }
0x220: {  	[hbm4b:s5+s2] =	stream.indirect_vreg.scatter [tilespmem:s2], [sflag:$0x2], $0x80, v4, vm0, $0xb8;
	[tilespmem:$0x16800] =	vst v63  }
0x221: {  	_ = 	snop  }
0x222: {  	[hbm4b:s10+s2] =	stream.indirect_vreg.scatter [tilespmem:s0], [sflag:$0x2], $0x80, v4, vm0, $0xb8;
	[tilespmem:$0x16800] =	vst v63  }
0x223: {  	_ = 	snop  }
0x224: {  	[hbm4b:s5+s2] =	stream.indirect_vreg.scatter [tilespmem:s1], [sflag:$0x2], $0x80, v3, vm0, $0xb8;
	[tilespmem:$0x16800] =	vst v63  }
0x225: {  	_ = 	snop  }
0x226: {  	[hbm4b:s10+s2] =	stream.indirect_vreg.scatter [tilespmem:s4], [sflag:$0x2], $0x80, v3, vm0, $0xb8;
	[tilespmem:$0x16800] =	vst v63  }
0x227: {  	v3 =	vld [tilespmem:s29+$0x12A90];
	_ =	sdelay $0x4  }
0x228: {  	v50 =	vshll.u32 v3, $0x2  }
0x229: {  	v3 =	vand.u32 $0x7, v3;
	v4 =	vand.u32 $0xFFFFFFE0, v50  }
0x22a: {  	v3 =	vor.u32 v3, v4  }
0x22b: {  	v4 =	vperm.xlane v3, v0;
	_ =	sdelay $0x1  }
0x22c: {  	v4 =	vadd.s32 v1, v4;
	_ =	sdelay $0x1  }
0x22d: {  	v3 =	vperm.xlane v3, v2;
	_ =	sdelay $0x1  }
0x22e: {  	v3 =	vadd.s32 v1, v3  }
0x22f: {  	[hbm4b:s5+s2] =	stream.indirect_vreg.scatter [tilespmem:s6], [sflag:$0x2], $0x80, v4, vm0, $0xb8;
	[tilespmem:$0x16800] =	vst v63  }
0x230: {  	_ = 	snop  }
0x231: {  	[hbm4b:s10+s2] =	stream.indirect_vreg.scatter [tilespmem:s7], [sflag:$0x2], $0x80, v4, vm0, $0xb8;
	[tilespmem:$0x16800] =	vst v63  }
0x232: {  	_ = 	snop  }
0x233: {  	[hbm4b:s5+s2] =	stream.indirect_vreg.scatter [tilespmem:s8], [sflag:$0x2], $0x80, v3, vm0, $0xb8;
	[tilespmem:$0x16800] =	vst v63  }
0x234: {  	_ = 	snop  }
0x235: {  	[hbm4b:s10+s2] =	stream.indirect_vreg.scatter [tilespmem:s11], [sflag:$0x2], $0x80, v3, vm0, $0xb8;
	[tilespmem:$0x16800] =	vst v63  }
0x236: {  	v3 =	vld [tilespmem:s29+$0x12AA0];
	_ =	sdelay $0x4  }
0x237: {  	v51 =	vshll.u32 v3, $0x2  }
0x238: {  	v3 =	vand.u32 $0x7, v3;
	v4 =	vand.u32 $0xFFFFFFE0, v51  }
0x239: {  	v3 =	vor.u32 v3, v4  }
0x23a: {  	v4 =	vperm.xlane v3, v0;
	_ =	sdelay $0x1  }
0x23b: {  	v4 =	vadd.s32 v1, v4;
	_ =	sdelay $0x1  }
0x23c: {  	v3 =	vperm.xlane v3, v2;
	_ =	sdelay $0x1  }
0x23d: {  	v3 =	vadd.s32 v1, v3  }
0x23e: {  	[hbm4b:s5+s2] =	stream.indirect_vreg.scatter [tilespmem:s12], [sflag:$0x2], $0x80, v4, vm0, $0xb8;
	[tilespmem:$0x16800] =	vst v63  }
0x23f: {  	_ = 	snop  }
0x240: {  	[hbm4b:s10+s2] =	stream.indirect_vreg.scatter [tilespmem:s13], [sflag:$0x2], $0x80, v4, vm0, $0xb8;
	[tilespmem:$0x16800] =	vst v63  }
0x241: {  	_ = 	snop  }
0x242: {  	[hbm4b:s5+s2] =	stream.indirect_vreg.scatter [tilespmem:s14], [sflag:$0x2], $0x80, v3, vm0, $0xb8;
	[tilespmem:$0x16800] =	vst v63  }
0x243: {  	_ = 	snop  }
0x244: {  	[hbm4b:s10+s2] =	stream.indirect_vreg.scatter [tilespmem:s15], [sflag:$0x2], $0x80, v3, vm0, $0xb8;
	[tilespmem:$0x16800] =	vst v63  }
0x245: {  	v3 =	vld [tilespmem:s29+$0x12AB0];
	_ =	sdelay $0x4  }
0x246: {  	v52 =	vshll.u32 v3, $0x2  }
0x247: {  	v3 =	vand.u32 $0x7, v3;
	v4 =	vand.u32 $0xFFFFFFE0, v52  }
0x248: {  	v3 =	vor.u32 v3, v4  }
0x249: {  	v4 =	vperm.xlane v3, v0;
	_ =	sdelay $0x1  }
0x24a: {  	v4 =	vadd.s32 v1, v4;
	_ =	sdelay $0x1  }
0x24b: {  	v3 =	vperm.xlane v3, v2;
	_ =	sdelay $0x1  }
0x24c: {  	v3 =	vadd.s32 v1, v3  }
0x24d: {  	[hbm4b:s5+s2] =	stream.indirect_vreg.scatter [tilespmem:s16], [sflag:$0x2], $0x80, v4, vm0, $0xb8;
	[tilespmem:$0x16800] =	vst v63  }
0x24e: {  	_ = 	snop  }
0x24f: {  	[hbm4b:s10+s2] =	stream.indirect_vreg.scatter [tilespmem:s17], [sflag:$0x2], $0x80, v4, vm0, $0xb8;
	[tilespmem:$0x16800] =	vst v63  }
0x250: {  	_ = 	snop  }
0x251: {  	[hbm4b:s5+s2] =	stream.indirect_vreg.scatter [tilespmem:s18], [sflag:$0x2], $0x80, v3, vm0, $0xb8;
	[tilespmem:$0x16800] =	vst v63  }
0x252: {  	_ = 	snop  }
0x253: {  	[hbm4b:s10+s2] =	stream.indirect_vreg.scatter [tilespmem:s21], [sflag:$0x2], $0x80, v3, vm0, $0xb8;
	[tilespmem:$0x16800] =	vst v63  }
0x254: {  	v3 =	vld [tilespmem:s29+$0x12AC0];
	_ =	sdelay $0x4  }
0x255: {  	v53 =	vshll.u32 v3, $0x2  }
0x256: {  	v3 =	vand.u32 $0x7, v3;
	v4 =	vand.u32 $0xFFFFFFE0, v53  }
0x257: {  	v3 =	vor.u32 v3, v4  }
0x258: {  	v4 =	vperm.xlane v3, v0;
	_ =	sdelay $0x1  }
0x259: {  	v4 =	vadd.s32 v1, v4;
	_ =	sdelay $0x1  }
0x25a: {  	v3 =	vperm.xlane v3, v2;
	_ =	sdelay $0x1  }
0x25b: {  	v3 =	vadd.s32 v1, v3  }
0x25c: {  	[hbm4b:s5+s2] =	stream.indirect_vreg.scatter [tilespmem:s22], [sflag:$0x2], $0x80, v4, vm0, $0xb8;
	[tilespmem:$0x16800] =	vst v63  }
0x25d: {  	_ = 	snop  }
0x25e: {  	[hbm4b:s10+s2] =	stream.indirect_vreg.scatter [tilespmem:s23], [sflag:$0x2], $0x80, v4, vm0, $0xb8;
	[tilespmem:$0x16800] =	vst v63  }
0x25f: {  	_ = 	snop  }
0x260: {  	[hbm4b:s5+s2] =	stream.indirect_vreg.scatter [tilespmem:s24], [sflag:$0x2], $0x80, v3, vm0, $0xb8;
	[tilespmem:$0x16800] =	vst v63  }
0x261: {  	_ = 	snop  }
0x262: {  	[hbm4b:s10+s2] =	stream.indirect_vreg.scatter [tilespmem:s25], [sflag:$0x2], $0x80, v3, vm0, $0xb8;
	[tilespmem:$0x16800] =	vst v63  }
0x263: {  	v3 =	vld [tilespmem:s29+$0x12B00];
	_ =	sdelay $0x4  }
0x264: {  	v54 =	vshll.u32 v3, $0x2  }
0x265: {  	v3 =	vand.u32 $0x7, v3;
	v4 =	vand.u32 $0xFFFFFFE0, v54  }
0x266: {  	v3 =	vor.u32 v3, v4  }
0x267: {  	v4 =	vperm.xlane v3, v0;
	_ =	sdelay $0x1  }
0x268: {  	v4 =	vadd.s32 v1, v4;
	_ =	sdelay $0x1  }
0x269: {  	v3 =	vperm.xlane v3, v2;
	_ =	sdelay $0x1  }
0x26a: {  	v3 =	vadd.s32 v1, v3  }
0x26b: {  	[hbm4b:s5+s2] =	stream.indirect_vreg.scatter [tilespmem:s2], [sflag:$0x2], $0x80, v4, vm0, $0xb8;
	[tilespmem:$0x16800] =	vst v63  }
0x26c: {  	_ = 	snop  }
0x26d: {  	[hbm4b:s10+s2] =	stream.indirect_vreg.scatter [tilespmem:s0], [sflag:$0x2], $0x80, v4, vm0, $0xb8;
	[tilespmem:$0x16800] =	vst v63  }
0x26e: {  	_ = 	snop  }
0x26f: {  	[hbm4b:s5+s2] =	stream.indirect_vreg.scatter [tilespmem:s1], [sflag:$0x2], $0x80, v3, vm0, $0xb8;
	[tilespmem:$0x16800] =	vst v63  }
0x270: {  	_ = 	snop  }
0x271: {  	[hbm4b:s10+s2] =	stream.indirect_vreg.scatter [tilespmem:s4], [sflag:$0x2], $0x80, v3, vm0, $0xb8;
	[tilespmem:$0x16800] =	vst v63  }
0x272: {  	v3 =	vld [tilespmem:s29+$0x12B10];
	_ =	sdelay $0x4  }
0x273: {  	v55 =	vshll.u32 v3, $0x2  }
0x274: {  	v3 =	vand.u32 $0x7, v3;
	v4 =	vand.u32 $0xFFFFFFE0, v55  }
0x275: {  	v3 =	vor.u32 v3, v4  }
0x276: {  	v4 =	vperm.xlane v3, v0;
	_ =	sdelay $0x1  }
0x277: {  	v4 =	vadd.s32 v1, v4;
	_ =	sdelay $0x1  }
0x278: {  	v3 =	vperm.xlane v3, v2;
	_ =	sdelay $0x1  }
0x279: {  	v3 =	vadd.s32 v1, v3  }
0x27a: {  	[hbm4b:s5+s2] =	stream.indirect_vreg.scatter [tilespmem:s6], [sflag:$0x2], $0x80, v4, vm0, $0xb8;
	[tilespmem:$0x16800] =	vst v63  }
0x27b: {  	_ = 	snop  }
0x27c: {  	[hbm4b:s10+s2] =	stream.indirect_vreg.scatter [tilespmem:s7], [sflag:$0x2], $0x80, v4, vm0, $0xb8;
	[tilespmem:$0x16800] =	vst v63  }
0x27d: {  	_ = 	snop  }
0x27e: {  	[hbm4b:s5+s2] =	stream.indirect_vreg.scatter [tilespmem:s8], [sflag:$0x2], $0x80, v3, vm0, $0xb8;
	[tilespmem:$0x16800] =	vst v63  }
0x27f: {  	_ = 	snop  }
0x280: {  	[hbm4b:s10+s2] =	stream.indirect_vreg.scatter [tilespmem:s11], [sflag:$0x2], $0x80, v3, vm0, $0xb8;
	[tilespmem:$0x16800] =	vst v63  }
0x281: {  	v3 =	vld [tilespmem:s29+$0x12B20];
	_ =	sdelay $0x4  }
0x282: {  	v56 =	vshll.u32 v3, $0x2  }
0x283: {  	v3 =	vand.u32 $0x7, v3;
	v4 =	vand.u32 $0xFFFFFFE0, v56  }
0x284: {  	v3 =	vor.u32 v3, v4  }
0x285: {  	v4 =	vperm.xlane v3, v0;
	_ =	sdelay $0x1  }
0x286: {  	v4 =	vadd.s32 v1, v4;
	_ =	sdelay $0x1  }
0x287: {  	v3 =	vperm.xlane v3, v2;
	_ =	sdelay $0x1  }
0x288: {  	v3 =	vadd.s32 v1, v3  }
0x289: {  	[hbm4b:s5+s2] =	stream.indirect_vreg.scatter [tilespmem:s12], [sflag:$0x2], $0x80, v4, vm0, $0xb8;
	[tilespmem:$0x16800] =	vst v63  }
0x28a: {  	_ = 	snop  }
0x28b: {  	[hbm4b:s10+s2] =	stream.indirect_vreg.scatter [tilespmem:s13], [sflag:$0x2], $0x80, v4, vm0, $0xb8;
	[tilespmem:$0x16800] =	vst v63  }
0x28c: {  	_ = 	snop  }
0x28d: {  	[hbm4b:s5+s2] =	stream.indirect_vreg.scatter [tilespmem:s14], [sflag:$0x2], $0x80, v3, vm0, $0xb8;
	[tilespmem:$0x16800] =	vst v63  }
0x28e: {  	_ = 	snop  }
0x28f: {  	[hbm4b:s10+s2] =	stream.indirect_vreg.scatter [tilespmem:s15], [sflag:$0x2], $0x80, v3, vm0, $0xb8;
	[tilespmem:$0x16800] =	vst v63  }
0x290: {  	v3 =	vld [tilespmem:s29+$0x12B30];
	_ =	sdelay $0x4  }
0x291: {  	v57 =	vshll.u32 v3, $0x2  }
0x292: {  	v3 =	vand.u32 $0x7, v3;
	v4 =	vand.u32 $0xFFFFFFE0, v57  }
0x293: {  	v3 =	vor.u32 v3, v4  }
0x294: {  	v4 =	vperm.xlane v3, v0;
	_ =	sdelay $0x1  }
0x295: {  	v4 =	vadd.s32 v1, v4;
	_ =	sdelay $0x1  }
0x296: {  	v3 =	vperm.xlane v3, v2;
	_ =	sdelay $0x1  }
0x297: {  	v3 =	vadd.s32 v1, v3  }
0x298: {  	[hbm4b:s5+s2] =	stream.indirect_vreg.scatter [tilespmem:s16], [sflag:$0x2], $0x80, v4, vm0, $0xb8;
	[tilespmem:$0x16800] =	vst v63  }
0x299: {  	_ = 	snop  }
0x29a: {  	[hbm4b:s10+s2] =	stream.indirect_vreg.scatter [tilespmem:s17], [sflag:$0x2], $0x80, v4, vm0, $0xb8;
	[tilespmem:$0x16800] =	vst v63  }
0x29b: {  	_ = 	snop  }
0x29c: {  	[hbm4b:s5+s2] =	stream.indirect_vreg.scatter [tilespmem:s18], [sflag:$0x2], $0x80, v3, vm0, $0xb8;
	[tilespmem:$0x16800] =	vst v63  }
0x29d: {  	_ = 	snop  }
0x29e: {  	[hbm4b:s10+s2] =	stream.indirect_vreg.scatter [tilespmem:s21], [sflag:$0x2], $0x80, v3, vm0, $0xb8;
	[tilespmem:$0x16800] =	vst v63  }
0x29f: {  	v3 =	vld [tilespmem:s29+$0x12B40];
	_ =	sdelay $0x4  }
0x2a0: {  	v58 =	vshll.u32 v3, $0x2  }
0x2a1: {  	v3 =	vand.u32 $0x7, v3;
	v4 =	vand.u32 $0xFFFFFFE0, v58  }
0x2a2: {  	v3 =	vor.u32 v3, v4  }
0x2a3: {  	v4 =	vperm.xlane v3, v0;
	_ =	sdelay $0x1  }
0x2a4: {  	v4 =	vadd.s32 v1, v4;
	_ =	sdelay $0x1  }
0x2a5: {  	v3 =	vperm.xlane v3, v2;
	_ =	sdelay $0x1  }
0x2a6: {  	v3 =	vadd.s32 v1, v3  }
0x2a7: {  	[hbm4b:s5+s2] =	stream.indirect_vreg.scatter [tilespmem:s22], [sflag:$0x2], $0x80, v4, vm0, $0xb8;
	[tilespmem:$0x16800] =	vst v63  }
0x2a8: {  	_ = 	snop  }
0x2a9: {  	[hbm4b:s10+s2] =	stream.indirect_vreg.scatter [tilespmem:s23], [sflag:$0x2], $0x80, v4, vm0, $0xb8;
	[tilespmem:$0x16800] =	vst v63  }
0x2aa: {  	_ = 	snop  }
0x2ab: {  	[hbm4b:s5+s2] =	stream.indirect_vreg.scatter [tilespmem:s24], [sflag:$0x2], $0x80, v3, vm0, $0xb8;
	[tilespmem:$0x16800] =	vst v63  }
0x2ac: {  	_ = 	snop  }
0x2ad: {  	[hbm4b:s10+s2] =	stream.indirect_vreg.scatter [tilespmem:s25], [sflag:$0x2], $0x80, v3, vm0, $0xb8;
	[tilespmem:$0x16800] =	vst v63  }
0x2ae: {  	v3 =	vld [tilespmem:s29+$0x12B80];
	_ =	sdelay $0x4  }
0x2af: {  	v59 =	vshll.u32 v3, $0x2  }
0x2b0: {  	v3 =	vand.u32 $0x7, v3;
	v4 =	vand.u32 $0xFFFFFFE0, v59  }
0x2b1: {  	v3 =	vor.u32 v3, v4  }
0x2b2: {  	v4 =	vperm.xlane v3, v0;
	_ =	sdelay $0x1  }
0x2b3: {  	v4 =	vadd.s32 v1, v4;
	_ =	sdelay $0x1  }
0x2b4: {  	v3 =	vperm.xlane v3, v2;
	_ =	sdelay $0x1  }
0x2b5: {  	v3 =	vadd.s32 v1, v3  }
0x2b6: {  	[hbm4b:s5+s2] =	stream.indirect_vreg.scatter [tilespmem:s2], [sflag:$0x2], $0x80, v4, vm0, $0xb8;
	[tilespmem:$0x16800] =	vst v63  }
0x2b7: {  	_ = 	snop  }
0x2b8: {  	[hbm4b:s10+s2] =	stream.indirect_vreg.scatter [tilespmem:s0], [sflag:$0x2], $0x80, v4, vm0, $0xb8;
	[tilespmem:$0x16800] =	vst v63  }
0x2b9: {  	_ = 	snop  }
0x2ba: {  	[hbm4b:s5+s2] =	stream.indirect_vreg.scatter [tilespmem:s1], [sflag:$0x2], $0x80, v3, vm0, $0xb8;
	[tilespmem:$0x16800] =	vst v63  }
0x2bb: {  	_ = 	snop  }
0x2bc: {  	[hbm4b:s10+s2] =	stream.indirect_vreg.scatter [tilespmem:s4], [sflag:$0x2], $0x80, v3, vm0, $0xb8;
	[tilespmem:$0x16800] =	vst v63  }
0x2bd: {  	v3 =	vld [tilespmem:s29+$0x12B90];
	_ =	sdelay $0x4  }
0x2be: {  	v60 =	vshll.u32 v3, $0x2  }
0x2bf: {  	v3 =	vand.u32 $0x7, v3;
	v4 =	vand.u32 $0xFFFFFFE0, v60  }
0x2c0: {  	v3 =	vor.u32 v3, v4  }
0x2c1: {  	v4 =	vperm.xlane v3, v0;
	_ =	sdelay $0x1  }
0x2c2: {  	v4 =	vadd.s32 v1, v4;
	_ =	sdelay $0x1  }
0x2c3: {  	v3 =	vperm.xlane v3, v2;
	_ =	sdelay $0x1  }
0x2c4: {  	v3 =	vadd.s32 v1, v3  }
0x2c5: {  	[hbm4b:s5+s2] =	stream.indirect_vreg.scatter [tilespmem:s6], [sflag:$0x2], $0x80, v4, vm0, $0xb8;
	[tilespmem:$0x16800] =	vst v63  }
0x2c6: {  	_ = 	snop  }
0x2c7: {  	[hbm4b:s10+s2] =	stream.indirect_vreg.scatter [tilespmem:s7], [sflag:$0x2], $0x80, v4, vm0, $0xb8;
	[tilespmem:$0x16800] =	vst v63  }
0x2c8: {  	_ = 	snop  }
0x2c9: {  	[hbm4b:s5+s2] =	stream.indirect_vreg.scatter [tilespmem:s8], [sflag:$0x2], $0x80, v3, vm0, $0xb8;
	[tilespmem:$0x16800] =	vst v63  }
0x2ca: {  	_ = 	snop  }
0x2cb: {  	[hbm4b:s10+s2] =	stream.indirect_vreg.scatter [tilespmem:s11], [sflag:$0x2], $0x80, v3, vm0, $0xb8;
	[tilespmem:$0x16800] =	vst v63  }
0x2cc: {  	v3 =	vld [tilespmem:s29+$0x12BA0];
	_ =	sdelay $0x4  }
0x2cd: {  	v61 =	vshll.u32 v3, $0x2  }
0x2ce: {  	v3 =	vand.u32 $0x7, v3;
	v4 =	vand.u32 $0xFFFFFFE0, v61  }
0x2cf: {  	v3 =	vor.u32 v3, v4  }
0x2d0: {  	v4 =	vperm.xlane v3, v0;
	_ =	sdelay $0x1  }
0x2d1: {  	v4 =	vadd.s32 v1, v4;
	_ =	sdelay $0x1  }
0x2d2: {  	v3 =	vperm.xlane v3, v2;
	_ =	sdelay $0x1  }
0x2d3: {  	v3 =	vadd.s32 v1, v3  }
0x2d4: {  	[hbm4b:s5+s2] =	stream.indirect_vreg.scatter [tilespmem:s12], [sflag:$0x2], $0x80, v4, vm0, $0xb8;
	[tilespmem:$0x16800] =	vst v63  }
0x2d5: {  	_ = 	snop  }
0x2d6: {  	[hbm4b:s10+s2] =	stream.indirect_vreg.scatter [tilespmem:s13], [sflag:$0x2], $0x80, v4, vm0, $0xb8;
	[tilespmem:$0x16800] =	vst v63  }
0x2d7: {  	_ = 	snop  }
0x2d8: {  	[hbm4b:s5+s2] =	stream.indirect_vreg.scatter [tilespmem:s14], [sflag:$0x2], $0x80, v3, vm0, $0xb8;
	[tilespmem:$0x16800] =	vst v63  }
0x2d9: {  	_ = 	snop  }
0x2da: {  	[hbm4b:s10+s2] =	stream.indirect_vreg.scatter [tilespmem:s15], [sflag:$0x2], $0x80, v3, vm0, $0xb8;
	[tilespmem:$0x16800] =	vst v63  }
0x2db: {  	v3 =	vld [tilespmem:s29+$0x12BB0];
	_ =	sdelay $0x4  }
0x2dc: {  	v62 =	vshll.u32 v3, $0x2  }
0x2dd: {  	v3 =	vand.u32 $0x7, v3;
	v4 =	vand.u32 $0xFFFFFFE0, v62  }
0x2de: {  	v3 =	vor.u32 v3, v4  }
0x2df: {  	v4 =	vperm.xlane v3, v0;
	_ =	sdelay $0x1  }
0x2e0: {  	v4 =	vadd.s32 v1, v4;
	_ =	sdelay $0x1  }
0x2e1: {  	v3 =	vperm.xlane v3, v2;
	_ =	sdelay $0x1  }
0x2e2: {  	v3 =	vadd.s32 v1, v3  }
0x2e3: {  	[hbm4b:s5+s2] =	stream.indirect_vreg.scatter [tilespmem:s16], [sflag:$0x2], $0x80, v4, vm0, $0xb8;
	[tilespmem:$0x16800] =	vst v63  }
0x2e4: {  	_ = 	snop  }
0x2e5: {  	[hbm4b:s10+s2] =	stream.indirect_vreg.scatter [tilespmem:s17], [sflag:$0x2], $0x80, v4, vm0, $0xb8;
	[tilespmem:$0x16800] =	vst v63  }
0x2e6: {  	_ = 	snop  }
0x2e7: {  	[hbm4b:s5+s2] =	stream.indirect_vreg.scatter [tilespmem:s18], [sflag:$0x2], $0x80, v3, vm0, $0xb8;
	[tilespmem:$0x16800] =	vst v63  }
0x2e8: {  	_ = 	snop  }
0x2e9: {  	[hbm4b:s10+s2] =	stream.indirect_vreg.scatter [tilespmem:s21], [sflag:$0x2], $0x80, v3, vm0, $0xb8;
	[tilespmem:$0x16800] =	vst v63  }
0x2ea: {  	v3 =	vld [tilespmem:s29+$0x12BC0];
	_ =	sdelay $0x4  }
0x2eb: {  	v63 =	vshll.u32 v3, $0x2  }
0x2ec: {  	v3 =	vand.u32 $0x7, v3;
	v4 =	vand.u32 $0xFFFFFFE0, v63  }
0x2ed: {  	v3 =	vor.u32 v3, v4  }
0x2ee: {  	v4 =	vperm.xlane v3, v0;
	_ =	sdelay $0x1  }
0x2ef: {  	v4 =	vadd.s32 v1, v4;
	_ =	sdelay $0x1  }
0x2f0: {  	v3 =	vperm.xlane v3, v2;
	_ =	sdelay $0x1  }
0x2f1: {  	v3 =	vadd.s32 v1, v3  }
0x2f2: {  	[hbm4b:s5+s2] =	stream.indirect_vreg.scatter [tilespmem:s22], [sflag:$0x2], $0x80, v4, vm0, $0xb8;
	[tilespmem:$0x16800] =	vst v63  }
0x2f3: {  	_ = 	snop  }
0x2f4: {  	[hbm4b:s10+s2] =	stream.indirect_vreg.scatter [tilespmem:s23], [sflag:$0x2], $0x80, v4, vm0, $0xb8;
	[tilespmem:$0x16800] =	vst v63  }
0x2f5: {  	_ = 	snop  }
0x2f6: {  	[hbm4b:s5+s2] =	stream.indirect_vreg.scatter [tilespmem:s24], [sflag:$0x2], $0x80, v3, vm0, $0xb8;
	[tilespmem:$0x16800] =	vst v63  }
0x2f7: {  	_ = 	snop  }
0x2f8: {  	[hbm4b:s10+s2] =	stream.indirect_vreg.scatter [tilespmem:s25], [sflag:$0x2], $0x80, v3, vm0, $0xb8;
	[tilespmem:$0x16800] =	vst v63  }
0x2f9: {  	_ =	swait.ge [sflag:s26], $0xA000  }
0x2fa: {  	[sflag:s26] =	ssyncset.done $0x0  }
0x2fb: {  	[sflag:s26] =	ssyncadd.s32 $0xFFFF6000  }
0x2fc: {  	_ =	swait.ge [sflag:s26], $0xA000  }
0x2fd: {  	[sflag:s26] =	ssyncset.done $0x0  }
0x2fe: {  	[sflag:s26] =	ssyncadd.s32 $0xFFFF6000  }
0x2ff: {  	_ =	swait.ge [sflag:s26], $0xA000  }
0x300: {  	[sflag:s26] =	ssyncset.done $0x0  }
0x301: {  	[sflag:s26] =	ssyncadd.s32 $0xFFFF6000  }
0x302: {  	_ =	swait.ge [sflag:s26], $0xA000  }
0x303: {  	[sflag:s26] =	ssyncset.done $0x0  }
0x304: {  	[sflag:s26] =	ssyncadd.s32 $0xFFFF6000  }
0x305: {  	_ =	swait.ge [sflag:s26], $0xA000  }
0x306: {  	[sflag:s26] =	ssyncset.done $0x0  }
0x307: {  	[sflag:s26] =	ssyncadd.s32 $0xFFFF6000  }
0x308: {  	_ =	swait.ge [sflag:s26], $0xA000  }
0x309: {  	[sflag:s26] =	ssyncset.done $0x0  }
0x30a: {  	[sflag:s26] =	ssyncadd.s32 $0xFFFF6000  }
0x30b: {  	p0 =	sne.s32 s28, $0xF000;
	_ =	swait.ge [sflag:s26], $0xA000  }
.Ltmp1:
0x30c: {  	[sflag:s26] =	ssyncset.done $0x0;
	(pc) =	sbr.rel @p0 .LBB2_3-.Ltmp1, $4  }
0x30d: {  	[sflag:s26] =	ssyncadd.s32 $0xFFFF6000  }
0x30e: {  	_ =	swait.ge [sflag:s26], $0xA000  }
0x30f: {  	[sflag:s26] =	ssyncset.done $0x0  }
0x310: {  	s28 =	sadd.s32 $0x1000, s28;
	[sflag:s26] =	ssyncadd.s32 $0xFFFF6000  }
0x311: {  	s0 =	rddreg [dreg:$0x8]  }
0x312: {  	s28 =	rddreg [dreg:$0x7];
	s0 =	sadd.s32 $0x1, s0  }
0x313: {  	p0 =	sne.s32 s0, s28  }
.Ltmp2:
0x314: {  	_ = 	snop;
	(pc) =	sbr.rel @p0 .LBB2_1-.Ltmp2, $1  }
0x315: {  	_ =	sdelay $0x3  }
0x316: {  	_ =	sfence.sel $0x180000  }
0x317: {  	[bflag:$0x0] =	sbarrier.arrive $0xFFFF  }
0x318: {  	_ =	strace $0x90000047  }
0x319: {  	s0 =	stileid.u32;
	[bflag:$0x2] =	sbarrier.arrive $0xFFFF  }
0x31a: {  	p0 =	sne.s32 s0, $0x0;
	s0 =	rddreg [dreg:$0x2]  }
0x31b: {  	s0 =	sadd.s32 @!p0 $0x100000, s0  }
0x31c: {  	[sflag:s0] =	ssyncadd.tile.s32 @!p0 $0x1;
	_ =	shalt  }
.Lfunc_end2:
_tile_overlayer_lowered:
.L_overlay_start_2:
0x31d: {  	(tag) =	ssettag $0x2  }
0x31e: {  	s0 =	rddreg [dreg:$0x0];
	s2 =	stileid.u32  }
0x31f: {  	s1 =	rddreg [dreg:$0x1];
	p0 =	sne.s32 s2, $0x0  }
0x320: {  	s3 =	rddreg [dreg:$0x2];
	[bflag:$0x3] =	sbarrier.arrive $0xFFFF;
	s2 =	simm.s32 @!p0 $0x1C03  }
0x321: {  	[timem:s3], [sflag:s2] =	dma.local @!p0 [hbm:s0], s1  }
0x322: {  	s0 =	simm.s32 @!p0 $0x3  }
0x323: {  	_ =	swait.ge @!p0 [sflag:s0], s1  }
0x324: {  	s1 =	ssub.s32 @!p0 $0x0, s1;
	[sflag:s0] =	ssyncset.done @!p0 $0x0  }
0x325: {  	[sflag:s0] =	ssyncadd.s32 @!p0 s1  }
0x326: {  	[bflag:$0x3] =	sbarrier.arrive $0xFFFF  }
0x327: {  	_ =	shalt  }

// kernel: sparse-core-data-format-call.cloned.1.call-start
scs
called_computation_lowered:
.L_overlay_start_0:
0x0: {  	s2 =	sld [smem:$0x3FD9]  }
0x1: {  	s3 =	sld [smem:$0x3FFE];
	_ =	sdelay $0x1  }
0x2: {  	s1 =	srdreg.scid  }
0x3: {  	s0 =	sand.u32 $0x1, s1  }
0x4: {  	s18 =	sshll.u32 s0, $0xA;
	s2 =	sadd.s32 s3, s2  }
0x5: {  	s2 =	sadd.s32 s2, s18  }
0x6: {  	[smem:$0x3FC4] =	sst s2  }
0x7: {  	_ = 	snop  }
0x8: {  	s2 =	sld [smem:$0x3FD0];
	(tm) =	ssettm $0x1  }
0x9: {  	s19 =	sld [smem:$0x3FFB];
	_ =	sdelay $0x3  }
0xa: {  	_ =	strace s19  }
0xb: {  	s3 =	sld [smem:$0x3FFC];
	_ =	sdelay $0x3  }
0xc: {  	_ =	strace s3  }
0xd: {  	s3 =	sld [smem:$0x3FFD];
	_ =	sdelay $0x3  }
0xe: {  	_ =	strace s3  }
0xf: {  	_ =	strace $0x8FFFFFFF  }
0x10: {  	s20 =	sld [smem:$0x3FDB];
	_ =	sdelay $0x1  }
0x11: {  	s4 =	simm.s32 $_scs_section_size  }
0x12: {  	s5 =	simm.s32 $_size__tile_overlayer_lowered;
	s6 =	simm.s32 $_tile_overlayer_lowered  }
0x13: {  	s23 =	simm.s32 $0x1BFF;
	s22 =	sshll.u32 s6, $0x1;
	s3 =	sadd.s32 s4, s20  }
0x14: {  	s7 =	simm.s32 $0x0;
	s21 =	sshll.u32 s5, $0x1;
	s5 =	sadd.s32 s22, s3  }
0x15: {  	[timem:s7], [sflag:s23] =	dma.local [hbm:s5], s21  }
0x16: {  	_ =	swait.ge [sflag:s23], s21  }
0x17: {  	s4 =	ssub.s32 $0x0, s21;
	[sflag:s23] =	ssyncset.done $0x0  }
0x18: {  	[sflag:s23] =	ssyncadd.s32 s4;
	_ =	sdelay $0x1  }
0x19: {  	s24 =	simm.s32 $0x1B8B  }
0x1a: {  	_ =	swait.ge [sflag:s24], $0x1  }
0x1b: {  	[sflag:s24] =	ssyncset.done $0x0  }
0x1c: {  	s26 =	simm.s32 $0x1B8E;
	s25 =	sld [smem:$0x3FFE];
	[sflag:s24] =	ssyncadd.s32 $0xFFFFFFFF  }
0x1d: {  	s27 =	simm.s32 $execute0_lowered;
	[smem:$0x3FD2] =	sst s26  }
0x1e: {  	s5 =	sshll.u32 s27, $0x1;
	_ =	strace $0x80000049;
	[dreg:$0x1] =	wrdreg $0xFFFFFFFF  }
0x1f: {  	s28 =	simm.s32 $_size_execute0_lowered;
	s3 =	sadd.s32 s3, s5;
	[dreg:$0x0] =	wrdreg $0x0  }
0x20: {  	s5 =	sshll.u32 s28, $0x1;
	[dreg:$0x2] =	wrdreg s3  }
0x21: {  	[dreg:$0x3] =	wrdreg s5  }
0x22: {  	[dreg:$0x4] =	wrdreg $0xC0  }
0x23: {  	_ =	task [dreg:s7], $0x5FFFF  }
0x24: {  	[dreg:$0x1] =	wrdreg $0xFFFFFFFF  }
0x25: {  	[dreg:$0x0] =	wrdreg $0x60  }
0x26: {  	[dreg:$0x2] =	wrdreg s25  }
0x27: {  	[dreg:$0x3] =	wrdreg s2  }
0x28: {  	[dreg:$0x4] =	wrdreg $0x9  }
0x29: {  	_ =	task.clear_ibuf [dreg:s7], $0x5FFFF;
	_ =	strace $0x90000049  }
0x2a: {  	s29 =	simm.s32 $0x9;
	_ =	strace $0x8000004B  }
0x2b: {  	_ =	swait.ge [sflag:s29], $0x1  }
0x2c: {  	[sflag:s29] =	ssyncadd.s32 $0xFFFFFFFF  }
0x2d: {  	_ =	strace $0x9000004B  }
0x2e: {  	_ =	sfence  }
0x2f: {  	s30 =	sld [smem:$0x0];
	_ =	sdelay $0x2  }
0x30: {  	s31 =	sshll.u32 s1, $0xD;
	s1 =	sshrl.u32 s1, $0x2  }
0x31: {  	s3 =	sand.u32 $0x4000, s31;
	s1 =	sadd.s32 s1, s30  }
0x32: {  	s0 =	sor.u32 s3, s0;
	s1 =	sshll.u32 s1, $0x11  }
0x33: {  	s0 =	sor.u32 s1, s0  }
0x34: {  	s0 =	sadd.s32 $0x8F2B, s0  }
0x35: {  	[sflag:s0] =	ssyncadd.remote.s32 $0x1  }
0x36: {  	_ =	sfence.sel $0xFFFF  }
0x37: {  	[dreg:$0x0] =	wrdreg $0xFFFFFFFF;
	(pc) =	sbr.abs _section_cstart, $3  }
0x38: {  	[dreg:$0x1] =	wrdreg $0xFFFFFFFF  }
0x39: {  	_ =	task.clear_ibuf [dreg:s7], $0x2FFFF;
	_ =	strace $0x9FFFFFFF  }
0x3a: {  	(tm) =	ssettm $0x7FFFFFFF  }
0x3b: {  	_ =	shalt  }
tec
execute0_lowered:
.L_overlay_start_1:
0x0: {  	(tag) =	ssettag $0x1  }
0x1: {  	s0 =	srdreg.scid  }
0x2: {  	s1 =	sshll.u32 s0, $0x4  }
0x3: {  	s6 =	rddreg [dreg:$0x0];
	s0 =	stileid.u32;
	s1 =	sand.u32 $0x10, s1  }
0x4: {  	s3 =	rddreg [dreg:$0x1];
	s1 =	sor.u32 s0, s1  }
0x5: {  	s5 =	simm.s32 $0x1;
	s31 =	simm.s32 $0x2;
	s2 =	sshll.u32 s1, $0x7  }
0x6: {  	s14 =	simm.s32 $0x0;
	s8 =	simm.s32 $0x1000;
	s4 =	ssub.s32 $0x1000, s2  }
0x7: {  	s9 =	simm.s32 $0x0;
	s15 =	simm.s32 $0x0;
	s30 =	sand.u32 $0xF80, s4  }
0x8: {  	s16 =	simm.s32 $0x0;
	s10 =	simm.s32 $0x0;
	p0 =	sne.s32 s30, $0x0  }
.Ltmp0:
0x9: {  	s7 =	sshrl.u32 s4, $0xC;
	s5 =	simm.s32 @!p0 $0x0;
	(pc) =	sbr.rel .LBB1_1-.Ltmp0, $4  }
0xa: {  	s11 =	simm.s32 $0x0;
	s1 =	rddreg [dreg:$0x2];
	s5 =	sadd.s32 s5, s7  }
0xb: {  	_ =	strace $0x8000004A;
	s4 =	simm.s32 $0x1;
	s5 =	smul.u32 $0x134, s5  }
0xc: {  	s13 =	simm.s32 $0x0;
	s6 =	sadd.s32 $0x1E00, s6;
	[sflag:s4] =	ssyncpa.u1 $0x0  }
0xd: {  	s12 =	smov.u32 s2;
	[sflag:s31] =	ssyncpa.u1 $0x0;
	s7 =	sor.u32 $0x1, s5  }
.LBB1_4:
0xe: {  	_ =	sdelay $0x3  }
0xf: {  	[tilespmem:v0+s19+$0xFFFFFFD0 ss:$0x1] =	vst.idx.msk $0xffff, v6  }
0x10: {  	v56 =	vld.idx.msk [tilespmem:v1+s18+$0x0 ss:$0x1], $0xffff;
	[tilespmem:v0+s19+$0xFFFFFFE0 ss:$0x1] =	vst.idx.msk $0xffff, v4  }
0x11: {  	v57 =	vld.idx.msk [tilespmem:v1+s18+$0xFFFFFF90 ss:$0x1], $0xffff;
	[tilespmem:v0+s19+$0xFFFFFFF0 ss:$0x1] =	vst.idx.msk $0xffff, v2  }
0x12: {  	v58 =	vld.idx.msk [tilespmem:v1+s18+$0xFFFFFFA0 ss:$0x1], $0xffff;
	[tilespmem:v0+s19+$0x0 ss:$0x1] =	vst.idx.msk $0xffff, v3  }
0x13: {  	v59 =	vld.idx.msk [tilespmem:v1+s18+$0xFFFFFFB0 ss:$0x1], $0xffff;
	[tilespmem:v0+s19+$0x10 ss:$0x1] =	vst.idx.msk $0xffff, v5  }
0x14: {  	v60 =	vld.idx.msk [tilespmem:v1+s18+$0xFFFFFFC0 ss:$0x1], $0xffff;
	[tilespmem:v0+s19+$0x20 ss:$0x1] =	vst.idx.msk $0xffff, v7  }
0x15: {  	v61 =	vld.idx.msk [tilespmem:v1+s18+$0xFFFFFFD0 ss:$0x1], $0xffff;
	s27 =	sshll.u32 s16, $0x9;
	[tilespmem:v0+s18+$0x30 ss:$0x1] =	vst.idx.msk $0xffff, v56  }
0x16: {  	s20 =	sshll.u32 s14, $0x3;
	v62 =	vld.idx.msk [tilespmem:v1+s18+$0xFFFFFFE0 ss:$0x1], $0xffff;
	s28 =	sshll.u32 s16, $0x7;
	s30 =	sand.u32 $0x78, s14;
	[tilespmem:v0+s18+$0xFFFFFFC0 ss:$0x1] =	vst.idx.msk $0xffff, v57  }
0x17: {  	v63 =	vld.idx.msk [tilespmem:v1+s18+$0xFFFFFFF0 ss:$0x1], $0xffff;
	s15 =	sshll.u32 s15, $0x12;
	s19 =	sand.u32 $0x1FF000, s27;
	s20 =	sand.u32 $0x1FFC00, s20;
	[tilespmem:v0+s18+$0xFFFFFFD0 ss:$0x1] =	vst.idx.msk $0xffff, v58  }
0x18: {  	s29 =	sand.u32 $0x200, s28;
	s16 =	sand.u32 $0x180, s28;
	s19 =	sadd.s32 s19, s20;
	[tilespmem:v0+s18+$0xFFFFFFE0 ss:$0x1] =	vst.idx.msk $0xffff, v59  }
0x19: {  	s31 =	sand.u32 $0x7, s14;
	s16 =	sor.u32 s16, s30;
	s19 =	sor.u32 s29, s19;
	[tilespmem:v0+s18+$0xFFFFFFF0 ss:$0x1] =	vst.idx.msk $0xffff, v60  }
0x1a: {  	s15 =	sadd.s32 s3, s15;
	s16 =	sshrl.u32 s16, $0x3;
	s19 =	sshrl.u32 s19, $0x3;
	[tilespmem:v0+s18+$0x0 ss:$0x1] =	vst.idx.msk $0xffff, v61  }
0x1b: {  	s14 =	sshll.u32 s31, $0x12;
	s15 =	sadd.s32 s16, s15;
	[tilespmem:v0+s18+$0x10 ss:$0x1] =	vst.idx.msk $0xffff, v62;
	s19 =	sand.u32 $0x3FFC0, s19  }
0x1c: {  	s14 =	sor.u32 $0x400, s14;
	[tilespmem:v0+s18+$0x20 ss:$0x1] =	vst.idx.msk $0xffff, v63;
	s15 =	sadd.s32 s19, s15  }
0x1d: {  	[hbm4b:s15+s14] =	stream.strided.scatter [tilespmem:s17], [sflag:$0x2], $0x4000, s8, s14, $0x38;
	[tilespmem:$0x10000] =	vst v63  }
.LBB1_5:
0x1e: {  	s17 =	sadd.s32 $0x80, s10  }
0x1f: {  	s14 =	simm.s32 $0x1;
	p1 =	sgt.s32 s17, $0x1FF  }
0x20: {  	s14 =	simm.s32 @!p1 $0x0  }
0x21: {  	s18 =	sadd.s32 s14, s11  }
0x22: {  	s20 =	smov.u32 s12;
	s14 =	sadd.s32 $0x1000, s12;
	p2 =	sgt.s32 s18, $0x4C  }
0x23: {  	s20 =	smov.u32 @p2 s14  }
0x24: {  	p0 =	slt.u32 s13, $0x2;
	s17 =	simm.s32 @p1 $0x0;
	p1 =	sgt.s32 s20, $0xFFF  }
0x25: {  	s19 =	simm.s32 @!p0 $0x2;
	s20 =	smov.u32 @p1 s2;
	p1 =	sne.s32 s13, s7  }
.Ltmp1:
0x26: {  	_ =	swait.ge @!p0 [sflag:s19], $0x4000;
	(pc) =	sbr.rel @!p1 .LBB1_6-.Ltmp1, $4  }
0x27: {  	s15 =	smov.u32 s11;
	[sflag:s19] =	ssyncset.done @!p0 $0x0  }
0x28: {  	s16 =	smov.u32 s12;
	s9 =	sadd.s32 $0x4000, s9;
	[sflag:s19] =	ssyncadd.s32 @!p0 $0xFFFFC000  }
0x29: {  	s18 =	simm.s32 @p2 $0x0;
	s14 =	smov.u32 s10;
	s10 =	smov.u32 s17  }
0x2a: {  	s11 =	smov.u32 s18;
	s13 =	sadd.s32 $0x1, s13;
	s12 =	smov.u32 s20  }
.LBB1_1:
0x2b: {  	p0 =	sge.u32 s13, s5  }
0x2c: {  	s17 =	sshll.u32 @!p0 s11, $0x9;
	s18 =	sshll.u32 @!p0 s10, $0x3  }
0x2d: {  	s19 =	sshll.u32 @!p0 s11, $0x7;
	s17 =	sand.u32 @!p0 $0xFFFFF000, s17;
	s18 =	sand.u32 @!p0 $0xFFFFFC00, s18  }
0x2e: {  	s17 =	sadd.s32 @!p0 s17, s18;
	s18 =	sand.u32 @!p0 $0x200, s19  }
0x2f: {  	s17 =	sor.u32 @!p0 s18, s17  }
0x30: {  	s17 =	sshrl.u32 @!p0 s17, $0x9  }
0x31: {  	s31 =	sadd.s32 $0xFFFFFFFF, s13;
	s18 =	smulhi.u32 @!p0 $0x3333334, s17  }
0x32: {  	s20 =	sxor.u32 @!p0 $0xFFFFFFFF, s13;
	s21 =	sand.u32 @!p0 $0x78, s10;
	s22 =	smul.u32 @!p0 $0x1400, s12  }
0x33: {  	s20 =	sshll.u32 @!p0 s20, $0xE;
	s19 =	sand.u32 @!p0 $0x180, s19;
	s18 =	smul.u32 @!p0 $0x50, s18  }
0x34: {  	s20 =	sand.u32 @!p0 $0x4000, s20;
	s19 =	sor.u32 @!p0 s21, s19;
	s21 =	sand.u32 @!p0 $0x7, s10  }
0x35: {  	s17 =	ssub.s32 @!p0 s17, s18;
	s18 =	sshrl.u32 @!p0 s19, $0x3;
	s19 =	sadd.s32 @!p0 s6, s22  }
0x36: {  	s17 =	sshll.u32 @!p0 s17, $0x6;
	s18 =	sadd.s32 @!p0 s18, s19;
	s19 =	sshll.u32 @!p0 s21, $0x12  }
0x37: {  	s17 =	sadd.s32 @!p0 s17, s18;
	s18 =	sor.u32 @!p0 $0x80, s19;
	s19 =	simm.s32 @!p0 $0xA000  }
0x38: {  	[tilespmem:s20], [sflag:$0x1] =	stream.strided.gather @!p0 [hbm4b:s17+s18], $0x4000, s19, s18, $0x38;
	[tilespmem:$0x10000] =	vst v63  }
0x39: {  	p0 =	sge.u32 s31, s5  }
.Ltmp2:
0x3a: {  	_ = 	snop;
	(pc) =	sbr.rel @p0 .LBB1_5-.Ltmp2, $1  }
0x3b: {  	_ =	sdelay $0x3  }
0x3c: {  	s17 =	sand.u32 $0x4000, s9  }
0x3d: {  	s18 =	sor.u32 $0x70, s17  }
0x3e: {  	v1 =	vmov s18;
	_ =	sdelay $0x1  }
0x3f: {  	_ =	swait.ge [sflag:s4], $0x4000  }
0x40: {  	[sflag:s4] =	ssyncset.done $0x0  }
0x41: {  	s19 =	simm.s32 $0x0;
	[sflag:s4] =	ssyncadd.s32 $0xFFFFC000  }
0x42: {  	s17 =	sor.u32 $0x8040, s17;
	v7 =	vld.idx.msk [tilespmem:v1+s19+$0x0 ss:$0x1], $0xffff  }
0x43: {  	v0 =	vmov s17;
	v8 =	vld.idx.msk [tilespmem:v1+s19+$0xFFFFFF90 ss:$0x1], $0xffff  }
0x44: {  	v6 =	vld.idx.msk [tilespmem:v1+s19+$0xFFFFFFA0 ss:$0x1], $0xffff  }
0x45: {  	v4 =	vld.idx.msk [tilespmem:v1+s19+$0xFFFFFFB0 ss:$0x1], $0xffff  }
0x46: {  	v2 =	vld.idx.msk [tilespmem:v1+s19+$0xFFFFFFC0 ss:$0x1], $0xffff  }
0x47: {  	s31 =	sshll.u32 s13, $0xE;
	v3 =	vld.idx.msk [tilespmem:v1+s19+$0xFFFFFFD0 ss:$0x1], $0xffff  }
0x48: {  	s17 =	sand.u32 $0x4000, s31;
	v5 =	vld.idx.msk [tilespmem:v1+s19+$0xFFFFFFE0 ss:$0x1], $0xffff;
	[tilespmem:v0+s19+$0x30 ss:$0x1] =	vst.idx.msk $0xffff, v7  }
0x49: {  	s20 =	simm.s32 $0x400;
	s18 =	simm.s32 $0x80;
	s17 =	sor.u32 $0x8000, s17;
	[tilespmem:v0+s19+$0xFFFFFFC0 ss:$0x1] =	vst.idx.msk $0xffff, v8;
	v7 =	vld.idx.msk [tilespmem:v1+s19+$0xFFFFFFF0 ss:$0x1], $0xffff  }
.LBB1_3:
0x4a: {  	p0 =	sne.s32 s20, $0xFE00;
	v8 =	vld.idx.msk [tilespmem:v1+s18+$0x0 ss:$0x1], $0xffff;
	[tilespmem:v0+s19+$0xFFFFFFD0 ss:$0x1] =	vst.idx.msk $0xffff, v6  }
0x4b: {  	v9 =	vld.idx.msk [tilespmem:v1+s18+$0xFFFFFF90 ss:$0x1], $0xffff;
	[tilespmem:v0+s19+$0xFFFFFFE0 ss:$0x1] =	vst.idx.msk $0xffff, v4  }
0x4c: {  	v6 =	vld.idx.msk [tilespmem:v1+s18+$0xFFFFFFA0 ss:$0x1], $0xffff;
	[tilespmem:v0+s19+$0xFFFFFFF0 ss:$0x1] =	vst.idx.msk $0xffff, v2  }
.Ltmp3:
0x4d: {  	v4 =	vld.idx.msk [tilespmem:v1+s18+$0xFFFFFFB0 ss:$0x1], $0xffff;
	[tilespmem:v0+s19+$0x0 ss:$0x1] =	vst.idx.msk $0xffff, v3;
	(pc) =	sbr.rel @p0 .LBB1_3-.Ltmp3, $4  }
0x4e: {  	v2 =	vld.idx.msk [tilespmem:v1+s18+$0xFFFFFFC0 ss:$0x1], $0xffff;
	[tilespmem:v0+s19+$0x10 ss:$0x1] =	vst.idx.msk $0xffff, v5  }
0x4f: {  	v3 =	vld.idx.msk [tilespmem:v1+s18+$0xFFFFFFD0 ss:$0x1], $0xffff;
	[tilespmem:v0+s19+$0x20 ss:$0x1] =	vst.idx.msk $0xffff, v7;
	s19 =	smov.u32 s18  }
0x50: {  	v5 =	vld.idx.msk [tilespmem:v1+s19+$0xFFFFFFE0 ss:$0x1], $0xffff;
	[tilespmem:v0+s19+$0x30 ss:$0x1] =	vst.idx.msk $0xffff, v8  }
0x51: {  	s18 =	sshra.s32 s20, $0x2;
	s20 =	sadd.s32 $0x200, s20;
	[tilespmem:v0+s19+$0xFFFFFFC0 ss:$0x1] =	vst.idx.msk $0xffff, v9;
	v7 =	vld.idx.msk [tilespmem:v1+s19+$0xFFFFFFF0 ss:$0x1], $0xffff  }
.Ltmp4:
0x52: {  	_ = 	snop;
	(pc) =	sbr.rel .LBB1_4-.Ltmp4, $1  }
0x53: {  	_ =	sdelay $0x3  }
.LBB1_6:
0x54: {  	_ =	sfence.sel $0x180000  }
0x55: {  	s2 =	simm.s32 $0x1;
	[bflag:$0x0] =	sbarrier.arrive $0xFFFF  }
0x56: {  	s31 =	simm.s32 $0x2;
	[sflag:s2] =	ssyncpa.u1 $0x1  }
0x57: {  	[sflag:s31] =	ssyncpa.u1 $0x1  }
0x58: {  	p0 =	sne.s32 s0, $0x0;
	_ =	strace $0x9000004A  }
0x59: {  	s0 =	sadd.s32 @!p0 $0x100000, s1;
	[bflag:$0x2] =	sbarrier.arrive $0xFFFF  }
0x5a: {  	[sflag:s0] =	ssyncadd.tile.s32 @!p0 $0x1;
	_ =	shalt  }
.Lfunc_end1:
_tile_overlayer_lowered:
.L_overlay_start_2:
0x5b: {  	(tag) =	ssettag $0x2  }
0x5c: {  	s0 =	rddreg [dreg:$0x0];
	s2 =	stileid.u32  }
0x5d: {  	s1 =	rddreg [dreg:$0x1];
	p0 =	sne.s32 s2, $0x0  }
0x5e: {  	s3 =	rddreg [dreg:$0x2];
	[bflag:$0x3] =	sbarrier.arrive $0xFFFF;
	s2 =	simm.s32 @!p0 $0x1C01  }
0x5f: {  	[timem:s3], [sflag:s2] =	dma.local @!p0 [hbm:s0], s1  }
0x60: {  	s0 =	simm.s32 @!p0 $0x1  }
0x61: {  	_ =	swait.ge @!p0 [sflag:s0], s1  }
0x62: {  	s1 =	ssub.s32 @!p0 $0x0, s1;
	[sflag:s0] =	ssyncset.done @!p0 $0x0  }
0x63: {  	[sflag:s0] =	ssyncadd.s32 @!p0 s1  }
0x64: {  	[bflag:$0x3] =	sbarrier.arrive $0xFFFF  }
0x65: {  	_ =	shalt  }

</sc_bundles>
